<compile_context>
chip_gen: v7x
topology: tpu7x:2x2x1
jax: 0.10.2.dev20260603
libtpu: 0.0.44.dev20260713+nightly
codegen_flags: <defaults>
</compile_context>

<pallas_src>
import jax
import jax.numpy as jnp
import numpy as np
from jax import lax
from jax.experimental import pallas as pl
from jax.experimental.pallas import tpu as pltpu
from jax.experimental.pallas import tpu_sc as plsc

_CUTOFF = 20.0
_GAP = 0.1
_LOG2 = float(np.log(2.0))
_LOG2E = float(np.log2(np.e))

_NC = 2
_NS = 16
_LANES = 16
_NW = _NC * _NS


def _sc_mesh():
    return plsc.VectorSubcoreMesh(
        core_axis_name="c", subcore_axis_name="s",
        num_cores=_NC, num_subcores=_NS)


def _dist2_body(pos_hbm, src_hbm, dst_hbm, out_hbm, pos_v, src_v, dst_v, out_v):
    c = lax.axis_index("c")
    s = lax.axis_index("s")
    wid = s * _NC + c
    chunk = src_v.shape[0]
    base = wid * chunk
    pltpu.sync_copy(pos_hbm, pos_v)
    pltpu.sync_copy(src_hbm.at[pl.ds(base, chunk)], src_v)
    pltpu.sync_copy(dst_hbm.at[pl.ds(base, chunk)], dst_v)

    def body(i, carry):
        off = i * _LANES
        si = src_v[pl.ds(off, _LANES)] * 3
        di = dst_v[pl.ds(off, _LANES)] * 3
        acc = jnp.zeros((_LANES,), jnp.float32)
        for k in range(3):
            kk = jnp.full((_LANES,), k, jnp.int32)
            a = plsc.load_gather(pos_v, [di + kk])
            b = plsc.load_gather(pos_v, [si + kk])
            d = a - b
            acc = acc + d * d
        out_v[pl.ds(off, _LANES)] = acc
        return carry

    lax.fori_loop(0, chunk // _LANES, body, 0)
    pltpu.sync_copy(out_v, out_hbm.at[pl.ds(base, chunk)])


def _dist2(positions_flat, src_pad, dst_pad):
    n3 = positions_flat.shape[0]
    e_pad = src_pad.shape[0]
    chunk = e_pad // _NW
    call = pl.kernel(
        _dist2_body,
        out_type=jax.ShapeDtypeStruct((e_pad,), jnp.float32),
        mesh=_sc_mesh(),
        scratch_types=[
            pltpu.VMEM((n3,), jnp.float32),
            pltpu.VMEM((chunk,), jnp.int32),
            pltpu.VMEM((chunk,), jnp.int32),
            pltpu.VMEM((chunk,), jnp.float32),
        ],
        compiler_params=pltpu.CompilerParams(needs_layout_passes=False),
    )
    return call(positions_flat, src_pad, dst_pad)


def _ssp(x):
    return (jnp.maximum(x, 0.0)
            + jnp.log(1.0 + jnp.exp2(jnp.abs(x) * -_LOG2E)) - _LOG2)


def _mlp_body(d2_ref, cent_ref, w1_ref, b1_ref, w2_ref, b2_ref, out_ref):
    d2 = d2_ref[...]
    dist = jnp.sqrt(d2 + 1e-12)
    dd = dist - cent_ref[...]
    rbf = jnp.exp2((dd * dd) * (-_LOG2E / _GAP))
    h = jnp.dot(rbf, w1_ref[...], preferred_element_type=jnp.float32)
    h = jnp.log(1.0 + jnp.exp2(h + b1_ref[...])) - _LOG2
    h = jnp.dot(h, w2_ref[...], preferred_element_type=jnp.float32)
    out_ref[...] = _ssp(h + b2_ref[...])


def _mlp(d2, cent, w1p, b1, w2, b2, block):
    e = d2.shape[0]
    cp = cent.shape[1]
    ch = w2.shape[1]
    grid = e // block
    return pl.pallas_call(
        _mlp_body,
        grid=(grid,),
        in_specs=[
            pl.BlockSpec((block, 1), lambda i: (i, 0)),
            pl.BlockSpec((1, cp), lambda i: (0, 0)),
            pl.BlockSpec((cp, ch), lambda i: (0, 0)),
            pl.BlockSpec((1, ch), lambda i: (0, 0)),
            pl.BlockSpec((ch, ch), lambda i: (0, 0)),
            pl.BlockSpec((1, ch), lambda i: (0, 0)),
        ],
        out_specs=pl.BlockSpec((block, ch), lambda i: (i, 0)),
        out_shape=jax.ShapeDtypeStruct((e, ch), jnp.float32),
        compiler_params=pltpu.CompilerParams(
            dimension_semantics=("arbitrary",),
            vmem_limit_bytes=100 * 1024 * 1024),
    )(d2, cent, w1p, b1, w2, b2)


_NBUF = 4


def _scatter_core(h2_hbm, dst_hbm, zeros_hbm, out_hbm, acc_sh,
                  buf0, buf1, buf2, buf3, idx0, idx1, idx2, idx3,
                  sem0, sem1, sem2, sem3):
    c = lax.axis_index("c")
    s = lax.axis_index("s")
    n_pad = acc_sh.shape[0]
    half = acc_sh.shape[1]
    rows = n_pad // _NS
    r0 = s * rows
    n_out = out_hbm.shape[0]
    tail = n_out - (_NS - 1) * rows
    col0 = c * half

    e_edges = dst_hbm.shape[0]
    epc = e_edges // _NS
    p = idx0.shape[0]
    npieces = epc // p
    e0 = s * epc
    bufs = (buf0, buf1, buf2, buf3)
    idxs = (idx0, idx1, idx2, idx3)
    sems = (sem0, sem1, sem2, sem3)

    def start_in(piece, b):
        off = e0 + piece * p
        pltpu.async_copy(dst_hbm.at[pl.ds(off, p)], idxs[b], sems[b])
        pltpu.async_copy(h2_hbm.at[pl.ds(off, p), pl.ds(col0, half)],
                         bufs[b], sems[b])

    def wait_in(piece, b):
        off = e0 + piece * p
        pltpu.make_async_copy(dst_hbm.at[pl.ds(off, p)], idxs[b], sems[b]).wait()
        pltpu.make_async_copy(h2_hbm.at[pl.ds(off, p), pl.ds(col0, half)],
                              bufs[b], sems[b]).wait()

    for b in range(_NBUF):
        start_in(b, b)

    pltpu.sync_copy(zeros_hbm, acc_sh.at[pl.ds(r0, rows)])
    plsc.subcore_barrier()

    def body(g, carry):
        for b in range(_NBUF):
            piece = g * _NBUF + b
            wait_in(piece, b)
            pltpu.sync_copy(bufs[b], acc_sh.at[idxs[b]], add=True)
            nxt = piece + _NBUF

            @pl.when(nxt < npieces)
            def _():
                start_in(nxt, b)
        return carry

    lax.fori_loop(0, npieces // _NBUF, body, 0)
    for r in range(npieces % _NBUF):
        piece = (npieces // _NBUF) * _NBUF + r
        b = piece % _NBUF
        wait_in(piece, b)
        pltpu.sync_copy(bufs[b], acc_sh.at[idxs[b]], add=True)
    plsc.subcore_barrier()

    @pl.when(s < _NS - 1)
    def _():
        pltpu.sync_copy(acc_sh.at[pl.ds(r0, rows)],
                        out_hbm.at[pl.ds(r0, rows), pl.ds(col0, half)])

    @pl.when(s == _NS - 1)
    def _():
        base = (_NS - 1) * rows
        pltpu.sync_copy(acc_sh.at[pl.ds(base, tail)],
                        out_hbm.at[pl.ds(base, tail), pl.ds(col0, half)])


def _segment_sum(h2, dst, n_nodes, piece=80):
    e, ch = h2.shape
    half = ch // _NC
    n_pad = ((n_nodes + _NS * 8 - 1) // (_NS * 8)) * (_NS * 8)
    rows = n_pad // _NS
    call = pl.kernel(
        _scatter_core,
        out_type=jax.ShapeDtypeStruct((n_nodes, ch), jnp.float32),
        mesh=_sc_mesh(),
        scratch_types=[
            pltpu.VMEM_SHARED((n_pad, half), jnp.float32),
            pltpu.VMEM((piece, half), jnp.float32),
            pltpu.VMEM((piece, half), jnp.float32),
            pltpu.VMEM((piece, half), jnp.float32),
            pltpu.VMEM((piece, half), jnp.float32),
            pltpu.VMEM((piece,), jnp.int32),
            pltpu.VMEM((piece,), jnp.int32),
            pltpu.VMEM((piece,), jnp.int32),
            pltpu.VMEM((piece,), jnp.int32),
            pltpu.SemaphoreType.DMA,
            pltpu.SemaphoreType.DMA,
            pltpu.SemaphoreType.DMA,
            pltpu.SemaphoreType.DMA,
        ],
        compiler_params=pltpu.CompilerParams(needs_layout_passes=False),
    )
    zeros = jnp.zeros((rows, half), jnp.float32)
    return call(h2, dst, zeros)


def kernel(positions, edge_index, weight1, bias1, weight2, bias2):
    n_nodes = positions.shape[0]
    e_edges = edge_index.shape[1]
    n_cent, ch = weight1.shape
    cp = 256

    src = edge_index[0]
    dst = edge_index[1]

    chunk = ((e_edges + _NW * _LANES - 1) // (_NW * _LANES)) * _LANES
    e_pad = chunk * _NW
    pad = e_pad - e_edges
    src_pad = jnp.concatenate([src, jnp.zeros((pad,), jnp.int32)])
    dst_pad = jnp.concatenate([dst, jnp.zeros((pad,), jnp.int32)])

    d2 = _dist2(positions.reshape(-1), src_pad, dst_pad)[:e_edges].reshape(e_edges, 1)

    centers = jnp.linspace(0.0, _CUTOFF, n_cent)
    cent = jnp.concatenate(
        [centers, jnp.full((cp - n_cent,), -1000.0, jnp.float32)]).reshape(1, cp)
    w1p = jnp.concatenate(
        [weight1, jnp.zeros((cp - n_cent, ch), jnp.float32)], axis=0) * _LOG2E

    h2 = _mlp(d2, cent, w1p, bias1.reshape(1, ch) * _LOG2E, weight2,
              bias2.reshape(1, ch), block=3200)
    return _segment_sum(h2, dst, n_nodes)

# --- scband reference (transcript-rebuilt; emitter-appended) ---
"""Pipeline reference for scband-continuous-filter-convolution-11278584119784 (READ-ONLY COPY).

The authoritative reference and input builder live on the scoring server;
editing this copy changes nothing except your own understanding.
"""

import jax, jax.numpy as jnp
import numpy as np

CUTOFF = 20.0
GAP = 0.1
CHANNELS = 256
NUM_CENTERS = int(np.ceil(CUTOFF / GAP))  # 200
N_NODES = 10000
N_EDGES = 160000


def shifted_softplus(x):
    return jnp.where(x < 14.0, jax.nn.softplus(jnp.where(x < 14.0, x, jnp.zeros_like(x))), x) - jnp.log(2.0)


def setup_inputs(seed: int = 0) -> dict:
    key = jax.random.key(seed)
    k1, k2, k3, k4, k5, k6 = jax.random.split(key, 6)
    positions = jax.random.normal(k1, (N_NODES, 3), dtype=jnp.float32) * 5.0
    edge_index = jax.random.randint(k2, (2, N_EDGES), 0, N_NODES, dtype=jnp.int32)
    lim1 = float(np.sqrt(6.0 / (NUM_CENTERS + CHANNELS)))
    weight1 = jax.random.uniform(k3, (NUM_CENTERS, CHANNELS), dtype=jnp.float32, minval=-lim1, maxval=lim1)
    bias1 = jax.random.uniform(k4, (CHANNELS,), dtype=jnp.float32, minval=-0.1, maxval=0.1)
    lim2 = float(np.sqrt(6.0 / (CHANNELS + CHANNELS)))
    weight2 = jax.random.uniform(k5, (CHANNELS, CHANNELS), dtype=jnp.float32, minval=-lim2, maxval=lim2)
    bias2 = jax.random.uniform(k6, (CHANNELS,), dtype=jnp.float32, minval=-0.1, maxval=0.1)
    return {"positions": positions, "edge_index": edge_index,
            "weight1": weight1, "bias1": bias1, "weight2": weight2, "bias2": bias2}


def reference(positions, edge_index, weight1, bias1, weight2, bias2):
    src = edge_index[0]
    dst = edge_index[1]
    sender_positions = positions[src]      # broadcast_node_to_edges(SOURCE, 'position')
    receiver_positions = positions[dst]    # broadcast_node_to_edges(TARGET, 'position')
    diff = receiver_positions - sender_positions
    dists = jnp.sqrt(jnp.sum(diff ** 2, axis=-1, keepdims=True) + 1e-12)  # [E, 1]
    centers = jnp.linspace(0.0, CUTOFF, NUM_CENTERS)[None, :]             # [1, 200]
    d = dists - centers
    rbf = jnp.exp(-(d ** 2) / GAP)                                        # [E, 200]
    results = shifted_softplus(rbf @ weight1 + bias1)                     # [E, 256]
    results = shifted_softplus(results @ weight2 + bias2)                 # [E, 256]
    w = jax.ops.segment_sum(results, dst, num_segments=N_NODES)           # pool_edges_to_node(TARGET, 'sum')
    return w

if __name__ == "__main__":
    import jax
    _d = setup_inputs()
    print(jax.jit(kernel)(*tuple(_d.values())))

</pallas_src>

<mosaic_0001>
#map = affine_map<(d0, d1) -> (0, 0)>
#map1 = affine_map<(d0, d1) -> (0)>
module attributes {stable_mosaic.version = 14 : i64} {
  func.func @_scatter_core(%arg0: i32, %arg1: i32, %arg2: memref<160000x256xf32, #tpu.memory_space<hbm>>, %arg3: memref<160000xi32, #tpu.memory_space<hbm>>, %arg4: memref<632x128xf32, #tpu.memory_space<hbm>>, %arg5: memref<10000x256xf32, #tpu.memory_space<hbm>>, %arg6: memref<10112x128xf32, #tpu.memory_space<vmem_shared>>, %arg7: memref<80x128xf32, #tpu.memory_space<vmem>>, %arg8: memref<80x128xf32, #tpu.memory_space<vmem>>, %arg9: memref<80x128xf32, #tpu.memory_space<vmem>>, %arg10: memref<80x128xf32, #tpu.memory_space<vmem>>, %arg11: memref<80xi32, #tpu.memory_space<vmem>>, %arg12: memref<80xi32, #tpu.memory_space<vmem>>, %arg13: memref<80xi32, #tpu.memory_space<vmem>>, %arg14: memref<80xi32, #tpu.memory_space<vmem>>, %arg15: memref<!tpu.dma_semaphore, #tpu.memory_space<semaphore_mem>>, %arg16: memref<!tpu.dma_semaphore, #tpu.memory_space<semaphore_mem>>, %arg17: memref<!tpu.dma_semaphore, #tpu.memory_space<semaphore_mem>>, %arg18: memref<!tpu.dma_semaphore, #tpu.memory_space<semaphore_mem>>) attributes {dimension_semantics = [#tpu.dimension_semantics<core_parallel>, #tpu.dimension_semantics<subcore_parallel>], iteration_bounds = array<i64: 2, 16>, scalar_prefetch = 0 : i64, scratch_operands = 13 : i64, tpu.core_type = #tpu.core_type<sc_vector_subcore>, window_params = [{transform_indices = #map}, {transform_indices = #map1}, {transform_indices = #map}, {transform_indices = #map}]} {
    %mul3A = arith.constant 632 : i32
    %mul3A_0 = arith.muli %arg1, %mul3A : i32
    %mul3A_1 = arith.constant 128 : i32
    %mul3A_2 = arith.muli %arg0, %mul3A_1 : i32
    %mul3A_3 = arith.constant 10000 : i32
    %mul3A_4 = arith.muli %arg1, %mul3A_3 : i32
    %add3A = arith.constant 0 : i32
    %add3A_5 = arith.addi %mul3A_4, %add3A : i32
    %dma_start3A = tpu.memref_slice %arg3[%add3A_5] : memref<160000xi32, #tpu.memory_space<hbm>> -> memref<80xi32, #tpu.memory_space<hbm>>
    %dma_start3A_6 = tpu.memref_slice %arg3[%add3A_5] : memref<160000xi32, #tpu.memory_space<hbm>> -> memref<80xi32, #tpu.memory_space<hbm>>
    tpu.enqueue_dma source(%dma_start3A_6 : memref<80xi32, #tpu.memory_space<hbm>>) target(%arg11 : memref<80xi32, #tpu.memory_space<vmem>>) target_semaphore(%arg15 : memref<!tpu.dma_semaphore, #tpu.memory_space<semaphore_mem>>)
    %dma_start3A_7 = tpu.memref_slice %arg2[%add3A_5, %mul3A_2] : memref<160000x256xf32, #tpu.memory_space<hbm>> -> memref<80x128xf32, #tpu.memory_space<hbm>>
    %dma_start3A_8 = tpu.memref_slice %arg2[%add3A_5, %mul3A_2] : memref<160000x256xf32, #tpu.memory_space<hbm>> -> memref<80x128xf32, #tpu.memory_space<hbm>>
    tpu.enqueue_dma source(%dma_start3A_8 : memref<80x128xf32, #tpu.memory_space<hbm>>) target(%arg7 : memref<80x128xf32, #tpu.memory_space<vmem>>) target_semaphore(%arg15 : memref<!tpu.dma_semaphore, #tpu.memory_space<semaphore_mem>>)
    %add3A_9 = arith.constant 80 : i32
    %add3A_10 = arith.addi %mul3A_4, %add3A_9 : i32
    %dma_start3A_11 = tpu.memref_slice %arg3[%add3A_10] : memref<160000xi32, #tpu.memory_space<hbm>> -> memref<80xi32, #tpu.memory_space<hbm>>
    %dma_start3A_12 = tpu.memref_slice %arg3[%add3A_10] : memref<160000xi32, #tpu.memory_space<hbm>> -> memref<80xi32, #tpu.memory_space<hbm>>
    tpu.enqueue_dma source(%dma_start3A_12 : memref<80xi32, #tpu.memory_space<hbm>>) target(%arg12 : memref<80xi32, #tpu.memory_space<vmem>>) target_semaphore(%arg16 : memref<!tpu.dma_semaphore, #tpu.memory_space<semaphore_mem>>)
    %dma_start3A_13 = tpu.memref_slice %arg2[%add3A_10, %mul3A_2] : memref<160000x256xf32, #tpu.memory_space<hbm>> -> memref<80x128xf32, #tpu.memory_space<hbm>>
    %dma_start3A_14 = tpu.memref_slice %arg2[%add3A_10, %mul3A_2] : memref<160000x256xf32, #tpu.memory_space<hbm>> -> memref<80x128xf32, #tpu.memory_space<hbm>>
    tpu.enqueue_dma source(%dma_start3A_14 : memref<80x128xf32, #tpu.memory_space<hbm>>) target(%arg8 : memref<80x128xf32, #tpu.memory_space<vmem>>) target_semaphore(%arg16 : memref<!tpu.dma_semaphore, #tpu.memory_space<semaphore_mem>>)
    %add3A_15 = arith.constant 160 : i32
    %add3A_16 = arith.addi %mul3A_4, %add3A_15 : i32
    %dma_start3A_17 = tpu.memref_slice %arg3[%add3A_16] : memref<160000xi32, #tpu.memory_space<hbm>> -> memref<80xi32, #tpu.memory_space<hbm>>
    %dma_start3A_18 = tpu.memref_slice %arg3[%add3A_16] : memref<160000xi32, #tpu.memory_space<hbm>> -> memref<80xi32, #tpu.memory_space<hbm>>
    tpu.enqueue_dma source(%dma_start3A_18 : memref<80xi32, #tpu.memory_space<hbm>>) target(%arg13 : memref<80xi32, #tpu.memory_space<vmem>>) target_semaphore(%arg17 : memref<!tpu.dma_semaphore, #tpu.memory_space<semaphore_mem>>)
    %dma_start3A_19 = tpu.memref_slice %arg2[%add3A_16, %mul3A_2] : memref<160000x256xf32, #tpu.memory_space<hbm>> -> memref<80x128xf32, #tpu.memory_space<hbm>>
    %dma_start3A_20 = tpu.memref_slice %arg2[%add3A_16, %mul3A_2] : memref<160000x256xf32, #tpu.memory_space<hbm>> -> memref<80x128xf32, #tpu.memory_space<hbm>>
    tpu.enqueue_dma source(%dma_start3A_20 : memref<80x128xf32, #tpu.memory_space<hbm>>) target(%arg9 : memref<80x128xf32, #tpu.memory_space<vmem>>) target_semaphore(%arg17 : memref<!tpu.dma_semaphore, #tpu.memory_space<semaphore_mem>>)
    %add3A_21 = arith.constant 240 : i32
    %add3A_22 = arith.addi %mul3A_4, %add3A_21 : i32
    %dma_start3A_23 = tpu.memref_slice %arg3[%add3A_22] : memref<160000xi32, #tpu.memory_space<hbm>> -> memref<80xi32, #tpu.memory_space<hbm>>
    %dma_start3A_24 = tpu.memref_slice %arg3[%add3A_22] : memref<160000xi32, #tpu.memory_space<hbm>> -> memref<80xi32, #tpu.memory_space<hbm>>
    tpu.enqueue_dma source(%dma_start3A_24 : memref<80xi32, #tpu.memory_space<hbm>>) target(%arg14 : memref<80xi32, #tpu.memory_space<vmem>>) target_semaphore(%arg18 : memref<!tpu.dma_semaphore, #tpu.memory_space<semaphore_mem>>)
    %dma_start3A_25 = tpu.memref_slice %arg2[%add3A_22, %mul3A_2] : memref<160000x256xf32, #tpu.memory_space<hbm>> -> memref<80x128xf32, #tpu.memory_space<hbm>>
    %dma_start3A_26 = tpu.memref_slice %arg2[%add3A_22, %mul3A_2] : memref<160000x256xf32, #tpu.memory_space<hbm>> -> memref<80x128xf32, #tpu.memory_space<hbm>>
    tpu.enqueue_dma source(%dma_start3A_26 : memref<80x128xf32, #tpu.memory_space<hbm>>) target(%arg10 : memref<80x128xf32, #tpu.memory_space<vmem>>) target_semaphore(%arg18 : memref<!tpu.dma_semaphore, #tpu.memory_space<semaphore_mem>>)
    "tpu.region"() ({
      %run_scoped3A = tpu.sem_alloc : memref<!tpu.dma_semaphore, #tpu.memory_space<semaphore_mem>>
      %dma_start3A_44 = arith.constant 0 : i32
      %dma_start3A_45 = tpu.memref_slice %arg6[%mul3A_0, %dma_start3A_44] : memref<10112x128xf32, #tpu.memory_space<vmem_shared>> -> memref<632x128xf32, #tpu.memory_space<vmem_shared>>
      tpu.enqueue_dma source(%arg4 : memref<632x128xf32, #tpu.memory_space<hbm>>) target(%dma_start3A_45 : memref<632x128xf32, #tpu.memory_space<vmem_shared>>) target_semaphore(%run_scoped3A : memref<!tpu.dma_semaphore, #tpu.memory_space<semaphore_mem>>)
      %dma_wait3A_46 = arith.constant 0 : i32
      %dma_wait3A_47 = tpu.memref_slice %arg6[%mul3A_0, %dma_wait3A_46] : memref<10112x128xf32, #tpu.memory_space<vmem_shared>> -> memref<632x128xf32, #tpu.memory_space<vmem_shared>>
      tpu.wait_dma2 semaphore(%run_scoped3A : memref<!tpu.dma_semaphore, #tpu.memory_space<semaphore_mem>>) src(%arg4 : memref<632x128xf32, #tpu.memory_space<hbm>>) dst(%dma_wait3A_47 : memref<632x128xf32, #tpu.memory_space<vmem_shared>>)
      tpu.yield
    }) : () -> ()
    %barrier3A = arith.constant 0 : index
    tpu.barrier barrier_id(%barrier3A)
    %scan3A = arith.constant 0 : i32
    %scan3A_27 = arith.constant 0 : i32
    %scan3A_28 = arith.constant 31 : i32
    %scan3A_29 = arith.addi %scan3A_27, %scan3A_28 : i32
    %scan3A_30 = arith.constant 1 : i32
    scf.for %scan3A_44 = %scan3A_27 to %scan3A_29 step %scan3A_30  : i32 {
      %mul3A_45 = arith.constant 4 : i32
      %mul3A_46 = arith.muli %scan3A_44, %mul3A_45 : i32
      %add3A_47 = arith.constant 0 : i32
      %add3A_48 = arith.addi %mul3A_46, %add3A_47 : i32
      %mul3A_49 = arith.constant 80 : i32
      %mul3A_50 = arith.muli %add3A_48, %mul3A_49 : i32
      %add3A_51 = arith.addi %mul3A_4, %mul3A_50 : i32
      %dma_wait3A_52 = tpu.memref_slice %arg3[%add3A_51] : memref<160000xi32, #tpu.memory_space<hbm>> -> memref<80xi32, #tpu.memory_space<hbm>>
      %dma_wait3A_53 = tpu.memref_slice %arg3[%add3A_51] : memref<160000xi32, #tpu.memory_space<hbm>> -> memref<80xi32, #tpu.memory_space<hbm>>
      tpu.wait_dma2 semaphore(%arg15 : memref<!tpu.dma_semaphore, #tpu.memory_space<semaphore_mem>>) src(%dma_wait3A_53 : memref<80xi32, #tpu.memory_space<hbm>>) dst(%arg11 : memref<80xi32, #tpu.memory_space<vmem>>)
      %dma_wait3A_54 = tpu.memref_slice %arg2[%add3A_51, %mul3A_2] : memref<160000x256xf32, #tpu.memory_space<hbm>> -> memref<80x128xf32, #tpu.memory_space<hbm>>
      %dma_wait3A_55 = tpu.memref_slice %arg2[%add3A_51, %mul3A_2] : memref<160000x256xf32, #tpu.memory_space<hbm>> -> memref<80x128xf32, #tpu.memory_space<hbm>>
      tpu.wait_dma2 semaphore(%arg15 : memref<!tpu.dma_semaphore, #tpu.memory_space<semaphore_mem>>) src(%dma_wait3A_55 : memref<80x128xf32, #tpu.memory_space<hbm>>) dst(%arg7 : memref<80x128xf32, #tpu.memory_space<vmem>>)
      "tpu.region"() ({
        %run_scoped3A = tpu.sem_alloc : memref<!tpu.dma_semaphore, #tpu.memory_space<semaphore_mem>>
        %dma_start3A_117 = arith.constant 0 : i32
        %dma_start3A_118 = arith.constant 0 : i32
        %dma_start3A_119 = tpu.memref_slice %arg6[%dma_start3A_117, %dma_start3A_118] : memref<10112x128xf32, #tpu.memory_space<vmem_shared>> -> memref<10112x128xf32, #tpu.memory_space<vmem_shared>>
        tpu.enqueue_indirect_dma source(%arg7 : memref<80x128xf32, #tpu.memory_space<vmem>>) target(%dma_start3A_119 : memref<10112x128xf32, #tpu.memory_space<vmem_shared>>) offsets(%arg11 : memref<80xi32, #tpu.memory_space<vmem>>) semaphore(%run_scoped3A : memref<!tpu.dma_semaphore, #tpu.memory_space<semaphore_mem>>) {add = true}
        %dma_wait3A_120 = arith.constant 0 : i32
        %dma_wait3A_121 = arith.constant 0 : i32
        %dma_wait3A_122 = tpu.memref_slice %arg6[%dma_wait3A_120, %dma_wait3A_121] : memref<10112x128xf32, #tpu.memory_space<vmem_shared>> -> memref<10112x128xf32, #tpu.memory_space<vmem_shared>>
        tpu.wait_indirect_dma semaphore(%run_scoped3A : memref<!tpu.dma_semaphore, #tpu.memory_space<semaphore_mem>>) src(%arg7 : memref<80x128xf32, #tpu.memory_space<vmem>>) dst(%dma_wait3A_122 : memref<10112x128xf32, #tpu.memory_space<vmem_shared>>)
        tpu.yield
      }) : () -> ()
      %add3A_56 = arith.constant 4 : i32
      %add3A_57 = arith.addi %add3A_48, %add3A_56 : i32
      %lt3A_58 = arith.constant 125 : i32
      %lt3A_59 = arith.cmpi slt, %add3A_57, %lt3A_58 : i32
      %convert_element_type3A_60 = arith.extui %lt3A_59 : i1 to i32
      %cond3A_61 = arith.constant 0 : i32
      %cond3A_62 = arith.cmpi ne, %convert_element_type3A_60, %cond3A_61 : i32
      scf.if %cond3A_62 {
        %mul3A_117 = arith.constant 80 : i32
        %mul3A_118 = arith.muli %add3A_57, %mul3A_117 : i32
        %add3A_119 = arith.addi %mul3A_4, %mul3A_118 : i32
        %dma_start3A_120 = tpu.memref_slice %arg3[%add3A_119] : memref<160000xi32, #tpu.memory_space<hbm>> -> memref<80xi32, #tpu.memory_space<hbm>>
        %dma_start3A_121 = tpu.memref_slice %arg3[%add3A_119] : memref<160000xi32, #tpu.memory_space<hbm>> -> memref<80xi32, #tpu.memory_space<hbm>>
        tpu.enqueue_dma source(%dma_start3A_121 : memref<80xi32, #tpu.memory_space<hbm>>) target(%arg11 : memref<80xi32, #tpu.memory_space<vmem>>) target_semaphore(%arg15 : memref<!tpu.dma_semaphore, #tpu.memory_space<semaphore_mem>>)
        %dma_start3A_122 = tpu.memref_slice %arg2[%add3A_119, %mul3A_2] : memref<160000x256xf32, #tpu.memory_space<hbm>> -> memref<80x128xf32, #tpu.memory_space<hbm>>
        %dma_start3A_123 = tpu.memref_slice %arg2[%add3A_119, %mul3A_2] : memref<160000x256xf32, #tpu.memory_space<hbm>> -> memref<80x128xf32, #tpu.memory_space<hbm>>
        tpu.enqueue_dma source(%dma_start3A_123 : memref<80x128xf32, #tpu.memory_space<hbm>>) target(%arg7 : memref<80x128xf32, #tpu.memory_space<vmem>>) target_semaphore(%arg15 : memref<!tpu.dma_semaphore, #tpu.memory_space<semaphore_mem>>)
      } else {
      }
      %mul3A_63 = arith.constant 4 : i32
      %mul3A_64 = arith.muli %scan3A_44, %mul3A_63 : i32
      %add3A_65 = arith.constant 1 : i32
      %add3A_66 = arith.addi %mul3A_64, %add3A_65 : i32
      %mul3A_67 = arith.constant 80 : i32
      %mul3A_68 = arith.muli %add3A_66, %mul3A_67 : i32
      %add3A_69 = arith.addi %mul3A_4, %mul3A_68 : i32
      %dma_wait3A_70 = tpu.memref_slice %arg3[%add3A_69] : memref<160000xi32, #tpu.memory_space<hbm>> -> memref<80xi32, #tpu.memory_space<hbm>>
      %dma_wait3A_71 = tpu.memref_slice %arg3[%add3A_69] : memref<160000xi32, #tpu.memory_space<hbm>> -> memref<80xi32, #tpu.memory_space<hbm>>
      tpu.wait_dma2 semaphore(%arg16 : memref<!tpu.dma_semaphore, #tpu.memory_space<semaphore_mem>>) src(%dma_wait3A_71 : memref<80xi32, #tpu.memory_space<hbm>>) dst(%arg12 : memref<80xi32, #tpu.memory_space<vmem>>)
      %dma_wait3A_72 = tpu.memref_slice %arg2[%add3A_69, %mul3A_2] : memref<160000x256xf32, #tpu.memory_space<hbm>> -> memref<80x128xf32, #tpu.memory_space<hbm>>
      %dma_wait3A_73 = tpu.memref_slice %arg2[%add3A_69, %mul3A_2] : memref<160000x256xf32, #tpu.memory_space<hbm>> -> memref<80x128xf32, #tpu.memory_space<hbm>>
      tpu.wait_dma2 semaphore(%arg16 : memref<!tpu.dma_semaphore, #tpu.memory_space<semaphore_mem>>) src(%dma_wait3A_73 : memref<80x128xf32, #tpu.memory_space<hbm>>) dst(%arg8 : memref<80x128xf32, #tpu.memory_space<vmem>>)
      "tpu.region"() ({
        %run_scoped3A = tpu.sem_alloc : memref<!tpu.dma_semaphore, #tpu.memory_space<semaphore_mem>>
        %dma_start3A_117 = arith.constant 0 : i32
        %dma_start3A_118 = arith.constant 0 : i32
        %dma_start3A_119 = tpu.memref_slice %arg6[%dma_start3A_117, %dma_start3A_118] : memref<10112x128xf32, #tpu.memory_space<vmem_shared>> -> memref<10112x128xf32, #tpu.memory_space<vmem_shared>>
        tpu.enqueue_indirect_dma source(%arg8 : memref<80x128xf32, #tpu.memory_space<vmem>>) target(%dma_start3A_119 : memref<10112x128xf32, #tpu.memory_space<vmem_shared>>) offsets(%arg12 : memref<80xi32, #tpu.memory_space<vmem>>) semaphore(%run_scoped3A : memref<!tpu.dma_semaphore, #tpu.memory_space<semaphore_mem>>) {add = true}
        %dma_wait3A_120 = arith.constant 0 : i32
        %dma_wait3A_121 = arith.constant 0 : i32
        %dma_wait3A_122 = tpu.memref_slice %arg6[%dma_wait3A_120, %dma_wait3A_121] : memref<10112x128xf32, #tpu.memory_space<vmem_shared>> -> memref<10112x128xf32, #tpu.memory_space<vmem_shared>>
        tpu.wait_indirect_dma semaphore(%run_scoped3A : memref<!tpu.dma_semaphore, #tpu.memory_space<semaphore_mem>>) src(%arg8 : memref<80x128xf32, #tpu.memory_space<vmem>>) dst(%dma_wait3A_122 : memref<10112x128xf32, #tpu.memory_space<vmem_shared>>)
        tpu.yield
      }) : () -> ()
      %add3A_74 = arith.constant 4 : i32
      %add3A_75 = arith.addi %add3A_66, %add3A_74 : i32
      %lt3A_76 = arith.constant 125 : i32
      %lt3A_77 = arith.cmpi slt, %add3A_75, %lt3A_76 : i32
      %convert_element_type3A_78 = arith.extui %lt3A_77 : i1 to i32
      %cond3A_79 = arith.constant 0 : i32
      %cond3A_80 = arith.cmpi ne, %convert_element_type3A_78, %cond3A_79 : i32
      scf.if %cond3A_80 {
        %mul3A_117 = arith.constant 80 : i32
        %mul3A_118 = arith.muli %add3A_75, %mul3A_117 : i32
        %add3A_119 = arith.addi %mul3A_4, %mul3A_118 : i32
        %dma_start3A_120 = tpu.memref_slice %arg3[%add3A_119] : memref<160000xi32, #tpu.memory_space<hbm>> -> memref<80xi32, #tpu.memory_space<hbm>>
        %dma_start3A_121 = tpu.memref_slice %arg3[%add3A_119] : memref<160000xi32, #tpu.memory_space<hbm>> -> memref<80xi32, #tpu.memory_space<hbm>>
        tpu.enqueue_dma source(%dma_start3A_121 : memref<80xi32, #tpu.memory_space<hbm>>) target(%arg12 : memref<80xi32, #tpu.memory_space<vmem>>) target_semaphore(%arg16 : memref<!tpu.dma_semaphore, #tpu.memory_space<semaphore_mem>>)
        %dma_start3A_122 = tpu.memref_slice %arg2[%add3A_119, %mul3A_2] : memref<160000x256xf32, #tpu.memory_space<hbm>> -> memref<80x128xf32, #tpu.memory_space<hbm>>
        %dma_start3A_123 = tpu.memref_slice %arg2[%add3A_119, %mul3A_2] : memref<160000x256xf32, #tpu.memory_space<hbm>> -> memref<80x128xf32, #tpu.memory_space<hbm>>
        tpu.enqueue_dma source(%dma_start3A_123 : memref<80x128xf32, #tpu.memory_space<hbm>>) target(%arg8 : memref<80x128xf32, #tpu.memory_space<vmem>>) target_semaphore(%arg16 : memref<!tpu.dma_semaphore, #tpu.memory_space<semaphore_mem>>)
      } else {
      }
      %mul3A_81 = arith.constant 4 : i32
      %mul3A_82 = arith.muli %scan3A_44, %mul3A_81 : i32
      %add3A_83 = arith.constant 2 : i32
      %add3A_84 = arith.addi %mul3A_82, %add3A_83 : i32
      %mul3A_85 = arith.constant 80 : i32
      %mul3A_86 = arith.muli %add3A_84, %mul3A_85 : i32
      %add3A_87 = arith.addi %mul3A_4, %mul3A_86 : i32
      %dma_wait3A_88 = tpu.memref_slice %arg3[%add3A_87] : memref<160000xi32, #tpu.memory_space<hbm>> -> memref<80xi32, #tpu.memory_space<hbm>>
      %dma_wait3A_89 = tpu.memref_slice %arg3[%add3A_87] : memref<160000xi32, #tpu.memory_space<hbm>> -> memref<80xi32, #tpu.memory_space<hbm>>
      tpu.wait_dma2 semaphore(%arg17 : memref<!tpu.dma_semaphore, #tpu.memory_space<semaphore_mem>>) src(%dma_wait3A_89 : memref<80xi32, #tpu.memory_space<hbm>>) dst(%arg13 : memref<80xi32, #tpu.memory_space<vmem>>)
      %dma_wait3A_90 = tpu.memref_slice %arg2[%add3A_87, %mul3A_2] : memref<160000x256xf32, #tpu.memory_space<hbm>> -> memref<80x128xf32, #tpu.memory_space<hbm>>
      %dma_wait3A_91 = tpu.memref_slice %arg2[%add3A_87, %mul3A_2] : memref<160000x256xf32, #tpu.memory_space<hbm>> -> memref<80x128xf32, #tpu.memory_space<hbm>>
      tpu.wait_dma2 semaphore(%arg17 : memref<!tpu.dma_semaphore, #tpu.memory_space<semaphore_mem>>) src(%dma_wait3A_91 : memref<80x128xf32, #tpu.memory_space<hbm>>) dst(%arg9 : memref<80x128xf32, #tpu.memory_space<vmem>>)
      "tpu.region"() ({
        %run_scoped3A = tpu.sem_alloc : memref<!tpu.dma_semaphore, #tpu.memory_space<semaphore_mem>>
        %dma_start3A_117 = arith.constant 0 : i32
        %dma_start3A_118 = arith.constant 0 : i32
        %dma_start3A_119 = tpu.memref_slice %arg6[%dma_start3A_117, %dma_start3A_118] : memref<10112x128xf32, #tpu.memory_space<vmem_shared>> -> memref<10112x128xf32, #tpu.memory_space<vmem_shared>>
        tpu.enqueue_indirect_dma source(%arg9 : memref<80x128xf32, #tpu.memory_space<vmem>>) target(%dma_start3A_119 : memref<10112x128xf32, #tpu.memory_space<vmem_shared>>) offsets(%arg13 : memref<80xi32, #tpu.memory_space<vmem>>) semaphore(%run_scoped3A : memref<!tpu.dma_semaphore, #tpu.memory_space<semaphore_mem>>) {add = true}
        %dma_wait3A_120 = arith.constant 0 : i32
        %dma_wait3A_121 = arith.constant 0 : i32
        %dma_wait3A_122 = tpu.memref_slice %arg6[%dma_wait3A_120, %dma_wait3A_121] : memref<10112x128xf32, #tpu.memory_space<vmem_shared>> -> memref<10112x128xf32, #tpu.memory_space<vmem_shared>>
        tpu.wait_indirect_dma semaphore(%run_scoped3A : memref<!tpu.dma_semaphore, #tpu.memory_space<semaphore_mem>>) src(%arg9 : memref<80x128xf32, #tpu.memory_space<vmem>>) dst(%dma_wait3A_122 : memref<10112x128xf32, #tpu.memory_space<vmem_shared>>)
        tpu.yield
      }) : () -> ()
      %add3A_92 = arith.constant 4 : i32
      %add3A_93 = arith.addi %add3A_84, %add3A_92 : i32
      %lt3A_94 = arith.constant 125 : i32
      %lt3A_95 = arith.cmpi slt, %add3A_93, %lt3A_94 : i32
      %convert_element_type3A_96 = arith.extui %lt3A_95 : i1 to i32
      %cond3A_97 = arith.constant 0 : i32
      %cond3A_98 = arith.cmpi ne, %convert_element_type3A_96, %cond3A_97 : i32
      scf.if %cond3A_98 {
        %mul3A_117 = arith.constant 80 : i32
        %mul3A_118 = arith.muli %add3A_93, %mul3A_117 : i32
        %add3A_119 = arith.addi %mul3A_4, %mul3A_118 : i32
        %dma_start3A_120 = tpu.memref_slice %arg3[%add3A_119] : memref<160000xi32, #tpu.memory_space<hbm>> -> memref<80xi32, #tpu.memory_space<hbm>>
        %dma_start3A_121 = tpu.memref_slice %arg3[%add3A_119] : memref<160000xi32, #tpu.memory_space<hbm>> -> memref<80xi32, #tpu.memory_space<hbm>>
        tpu.enqueue_dma source(%dma_start3A_121 : memref<80xi32, #tpu.memory_space<hbm>>) target(%arg13 : memref<80xi32, #tpu.memory_space<vmem>>) target_semaphore(%arg17 : memref<!tpu.dma_semaphore, #tpu.memory_space<semaphore_mem>>)
        %dma_start3A_122 = tpu.memref_slice %arg2[%add3A_119, %mul3A_2] : memref<160000x256xf32, #tpu.memory_space<hbm>> -> memref<80x128xf32, #tpu.memory_space<hbm>>
        %dma_start3A_123 = tpu.memref_slice %arg2[%add3A_119, %mul3A_2] : memref<160000x256xf32, #tpu.memory_space<hbm>> -> memref<80x128xf32, #tpu.memory_space<hbm>>
        tpu.enqueue_dma source(%dma_start3A_123 : memref<80x128xf32, #tpu.memory_space<hbm>>) target(%arg9 : memref<80x128xf32, #tpu.memory_space<vmem>>) target_semaphore(%arg17 : memref<!tpu.dma_semaphore, #tpu.memory_space<semaphore_mem>>)
      } else {
      }
      %mul3A_99 = arith.constant 4 : i32
      %mul3A_100 = arith.muli %scan3A_44, %mul3A_99 : i32
      %add3A_101 = arith.constant 3 : i32
      %add3A_102 = arith.addi %mul3A_100, %add3A_101 : i32
      %mul3A_103 = arith.constant 80 : i32
      %mul3A_104 = arith.muli %add3A_102, %mul3A_103 : i32
      %add3A_105 = arith.addi %mul3A_4, %mul3A_104 : i32
      %dma_wait3A_106 = tpu.memref_slice %arg3[%add3A_105] : memref<160000xi32, #tpu.memory_space<hbm>> -> memref<80xi32, #tpu.memory_space<hbm>>
      %dma_wait3A_107 = tpu.memref_slice %arg3[%add3A_105] : memref<160000xi32, #tpu.memory_space<hbm>> -> memref<80xi32, #tpu.memory_space<hbm>>
      tpu.wait_dma2 semaphore(%arg18 : memref<!tpu.dma_semaphore, #tpu.memory_space<semaphore_mem>>) src(%dma_wait3A_107 : memref<80xi32, #tpu.memory_space<hbm>>) dst(%arg14 : memref<80xi32, #tpu.memory_space<vmem>>)
      %dma_wait3A_108 = tpu.memref_slice %arg2[%add3A_105, %mul3A_2] : memref<160000x256xf32, #tpu.memory_space<hbm>> -> memref<80x128xf32, #tpu.memory_space<hbm>>
      %dma_wait3A_109 = tpu.memref_slice %arg2[%add3A_105, %mul3A_2] : memref<160000x256xf32, #tpu.memory_space<hbm>> -> memref<80x128xf32, #tpu.memory_space<hbm>>
      tpu.wait_dma2 semaphore(%arg18 : memref<!tpu.dma_semaphore, #tpu.memory_space<semaphore_mem>>) src(%dma_wait3A_109 : memref<80x128xf32, #tpu.memory_space<hbm>>) dst(%arg10 : memref<80x128xf32, #tpu.memory_space<vmem>>)
      "tpu.region"() ({
        %run_scoped3A = tpu.sem_alloc : memref<!tpu.dma_semaphore, #tpu.memory_space<semaphore_mem>>
        %dma_start3A_117 = arith.constant 0 : i32
        %dma_start3A_118 = arith.constant 0 : i32
        %dma_start3A_119 = tpu.memref_slice %arg6[%dma_start3A_117, %dma_start3A_118] : memref<10112x128xf32, #tpu.memory_space<vmem_shared>> -> memref<10112x128xf32, #tpu.memory_space<vmem_shared>>
        tpu.enqueue_indirect_dma source(%arg10 : memref<80x128xf32, #tpu.memory_space<vmem>>) target(%dma_start3A_119 : memref<10112x128xf32, #tpu.memory_space<vmem_shared>>) offsets(%arg14 : memref<80xi32, #tpu.memory_space<vmem>>) semaphore(%run_scoped3A : memref<!tpu.dma_semaphore, #tpu.memory_space<semaphore_mem>>) {add = true}
        %dma_wait3A_120 = arith.constant 0 : i32
        %dma_wait3A_121 = arith.constant 0 : i32
        %dma_wait3A_122 = tpu.memref_slice %arg6[%dma_wait3A_120, %dma_wait3A_121] : memref<10112x128xf32, #tpu.memory_space<vmem_shared>> -> memref<10112x128xf32, #tpu.memory_space<vmem_shared>>
        tpu.wait_indirect_dma semaphore(%run_scoped3A : memref<!tpu.dma_semaphore, #tpu.memory_space<semaphore_mem>>) src(%arg10 : memref<80x128xf32, #tpu.memory_space<vmem>>) dst(%dma_wait3A_122 : memref<10112x128xf32, #tpu.memory_space<vmem_shared>>)
        tpu.yield
      }) : () -> ()
      %add3A_110 = arith.constant 4 : i32
      %add3A_111 = arith.addi %add3A_102, %add3A_110 : i32
      %lt3A_112 = arith.constant 125 : i32
      %lt3A_113 = arith.cmpi slt, %add3A_111, %lt3A_112 : i32
      %convert_element_type3A_114 = arith.extui %lt3A_113 : i1 to i32
      %cond3A_115 = arith.constant 0 : i32
      %cond3A_116 = arith.cmpi ne, %convert_element_type3A_114, %cond3A_115 : i32
      scf.if %cond3A_116 {
        %mul3A_117 = arith.constant 80 : i32
        %mul3A_118 = arith.muli %add3A_111, %mul3A_117 : i32
        %add3A_119 = arith.addi %mul3A_4, %mul3A_118 : i32
        %dma_start3A_120 = tpu.memref_slice %arg3[%add3A_119] : memref<160000xi32, #tpu.memory_space<hbm>> -> memref<80xi32, #tpu.memory_space<hbm>>
        %dma_start3A_121 = tpu.memref_slice %arg3[%add3A_119] : memref<160000xi32, #tpu.memory_space<hbm>> -> memref<80xi32, #tpu.memory_space<hbm>>
        tpu.enqueue_dma source(%dma_start3A_121 : memref<80xi32, #tpu.memory_space<hbm>>) target(%arg14 : memref<80xi32, #tpu.memory_space<vmem>>) target_semaphore(%arg18 : memref<!tpu.dma_semaphore, #tpu.memory_space<semaphore_mem>>)
        %dma_start3A_122 = tpu.memref_slice %arg2[%add3A_119, %mul3A_2] : memref<160000x256xf32, #tpu.memory_space<hbm>> -> memref<80x128xf32, #tpu.memory_space<hbm>>
        %dma_start3A_123 = tpu.memref_slice %arg2[%add3A_119, %mul3A_2] : memref<160000x256xf32, #tpu.memory_space<hbm>> -> memref<80x128xf32, #tpu.memory_space<hbm>>
        tpu.enqueue_dma source(%dma_start3A_123 : memref<80x128xf32, #tpu.memory_space<hbm>>) target(%arg10 : memref<80x128xf32, #tpu.memory_space<vmem>>) target_semaphore(%arg18 : memref<!tpu.dma_semaphore, #tpu.memory_space<semaphore_mem>>)
      } else {
      }
    }
    %scan3A_31 = arith.constant 31 : i32
    %add3A_32 = arith.constant 9920 : i32
    %add3A_33 = arith.addi %mul3A_4, %add3A_32 : i32
    %dma_wait3A = tpu.memref_slice %arg3[%add3A_33] : memref<160000xi32, #tpu.memory_space<hbm>> -> memref<80xi32, #tpu.memory_space<hbm>>
    %dma_wait3A_34 = tpu.memref_slice %arg3[%add3A_33] : memref<160000xi32, #tpu.memory_space<hbm>> -> memref<80xi32, #tpu.memory_space<hbm>>
    tpu.wait_dma2 semaphore(%arg15 : memref<!tpu.dma_semaphore, #tpu.memory_space<semaphore_mem>>) src(%dma_wait3A_34 : memref<80xi32, #tpu.memory_space<hbm>>) dst(%arg11 : memref<80xi32, #tpu.memory_space<vmem>>)
    %dma_wait3A_35 = tpu.memref_slice %arg2[%add3A_33, %mul3A_2] : memref<160000x256xf32, #tpu.memory_space<hbm>> -> memref<80x128xf32, #tpu.memory_space<hbm>>
    %dma_wait3A_36 = tpu.memref_slice %arg2[%add3A_33, %mul3A_2] : memref<160000x256xf32, #tpu.memory_space<hbm>> -> memref<80x128xf32, #tpu.memory_space<hbm>>
    tpu.wait_dma2 semaphore(%arg15 : memref<!tpu.dma_semaphore, #tpu.memory_space<semaphore_mem>>) src(%dma_wait3A_36 : memref<80x128xf32, #tpu.memory_space<hbm>>) dst(%arg7 : memref<80x128xf32, #tpu.memory_space<vmem>>)
    "tpu.region"() ({
      %run_scoped3A = tpu.sem_alloc : memref<!tpu.dma_semaphore, #tpu.memory_space<semaphore_mem>>
      %dma_start3A_44 = arith.constant 0 : i32
      %dma_start3A_45 = arith.constant 0 : i32
      %dma_start3A_46 = tpu.memref_slice %arg6[%dma_start3A_44, %dma_start3A_45] : memref<10112x128xf32, #tpu.memory_space<vmem_shared>> -> memref<10112x128xf32, #tpu.memory_space<vmem_shared>>
      tpu.enqueue_indirect_dma source(%arg7 : memref<80x128xf32, #tpu.memory_space<vmem>>) target(%dma_start3A_46 : memref<10112x128xf32, #tpu.memory_space<vmem_shared>>) offsets(%arg11 : memref<80xi32, #tpu.memory_space<vmem>>) semaphore(%run_scoped3A : memref<!tpu.dma_semaphore, #tpu.memory_space<semaphore_mem>>) {add = true}
      %dma_wait3A_47 = arith.constant 0 : i32
      %dma_wait3A_48 = arith.constant 0 : i32
      %dma_wait3A_49 = tpu.memref_slice %arg6[%dma_wait3A_47, %dma_wait3A_48] : memref<10112x128xf32, #tpu.memory_space<vmem_shared>> -> memref<10112x128xf32, #tpu.memory_space<vmem_shared>>
      tpu.wait_indirect_dma semaphore(%run_scoped3A : memref<!tpu.dma_semaphore, #tpu.memory_space<semaphore_mem>>) src(%arg7 : memref<80x128xf32, #tpu.memory_space<vmem>>) dst(%dma_wait3A_49 : memref<10112x128xf32, #tpu.memory_space<vmem_shared>>)
      tpu.yield
    }) : () -> ()
    %barrier3A_37 = arith.constant 0 : index
    tpu.barrier barrier_id(%barrier3A_37)
    %lt3A = arith.constant 15 : i32
    %lt3A_38 = arith.cmpi slt, %arg1, %lt3A : i32
    %convert_element_type3A = arith.extui %lt3A_38 : i1 to i32
    %cond3A = arith.constant 0 : i32
    %cond3A_39 = arith.cmpi ne, %convert_element_type3A, %cond3A : i32
    scf.if %cond3A_39 {
      "tpu.region"() ({
        %run_scoped3A = tpu.sem_alloc : memref<!tpu.dma_semaphore, #tpu.memory_space<semaphore_mem>>
        %dma_start3A_44 = tpu.memref_slice %arg5[%mul3A_0, %mul3A_2] : memref<10000x256xf32, #tpu.memory_space<hbm>> -> memref<632x128xf32, #tpu.memory_space<hbm>>
        %dma_start3A_45 = arith.constant 0 : i32
        %dma_start3A_46 = tpu.memref_slice %arg6[%mul3A_0, %dma_start3A_45] : memref<10112x128xf32, #tpu.memory_space<vmem_shared>> -> memref<632x128xf32, #tpu.memory_space<vmem_shared>>
        tpu.enqueue_dma source(%dma_start3A_46 : memref<632x128xf32, #tpu.memory_space<vmem_shared>>) target(%dma_start3A_44 : memref<632x128xf32, #tpu.memory_space<hbm>>) target_semaphore(%run_scoped3A : memref<!tpu.dma_semaphore, #tpu.memory_space<semaphore_mem>>)
        %dma_wait3A_47 = tpu.memref_slice %arg5[%mul3A_0, %mul3A_2] : memref<10000x256xf32, #tpu.memory_space<hbm>> -> memref<632x128xf32, #tpu.memory_space<hbm>>
        %dma_wait3A_48 = arith.constant 0 : i32
        %dma_wait3A_49 = tpu.memref_slice %arg6[%mul3A_0, %dma_wait3A_48] : memref<10112x128xf32, #tpu.memory_space<vmem_shared>> -> memref<632x128xf32, #tpu.memory_space<vmem_shared>>
        tpu.wait_dma2 semaphore(%run_scoped3A : memref<!tpu.dma_semaphore, #tpu.memory_space<semaphore_mem>>) src(%dma_wait3A_49 : memref<632x128xf32, #tpu.memory_space<vmem_shared>>) dst(%dma_wait3A_47 : memref<632x128xf32, #tpu.memory_space<hbm>>)
        tpu.yield
      }) : () -> ()
    } else {
    }
    %eq3A = arith.constant 15 : i32
    %eq3A_40 = arith.cmpi eq, %arg1, %eq3A : i32
    %convert_element_type3A_41 = arith.extui %eq3A_40 : i1 to i32
    %cond3A_42 = arith.constant 0 : i32
    %cond3A_43 = arith.cmpi ne, %convert_element_type3A_41, %cond3A_42 : i32
    scf.if %cond3A_43 {
      "tpu.region"() ({
        %run_scoped3A = tpu.sem_alloc : memref<!tpu.dma_semaphore, #tpu.memory_space<semaphore_mem>>
        %dma_start3A_44 = arith.constant 9480 : i32
        %dma_start3A_45 = tpu.memref_slice %arg5[%dma_start3A_44, %mul3A_2] : memref<10000x256xf32, #tpu.memory_space<hbm>> -> memref<520x128xf32, #tpu.memory_space<hbm>>
        %dma_start3A_46 = arith.constant 9480 : i32
        %dma_start3A_47 = arith.constant 0 : i32
        %dma_start3A_48 = tpu.memref_slice %arg6[%dma_start3A_46, %dma_start3A_47] : memref<10112x128xf32, #tpu.memory_space<vmem_shared>> -> memref<520x128xf32, #tpu.memory_space<vmem_shared>>
        tpu.enqueue_dma source(%dma_start3A_48 : memref<520x128xf32, #tpu.memory_space<vmem_shared>>) target(%dma_start3A_45 : memref<520x128xf32, #tpu.memory_space<hbm>>) target_semaphore(%run_scoped3A : memref<!tpu.dma_semaphore, #tpu.memory_space<semaphore_mem>>)
        %dma_wait3A_49 = arith.constant 9480 : i32
        %dma_wait3A_50 = tpu.memref_slice %arg5[%dma_wait3A_49, %mul3A_2] : memref<10000x256xf32, #tpu.memory_space<hbm>> -> memref<520x128xf32, #tpu.memory_space<hbm>>
        %dma_wait3A_51 = arith.constant 9480 : i32
        %dma_wait3A_52 = arith.constant 0 : i32
        %dma_wait3A_53 = tpu.memref_slice %arg6[%dma_wait3A_51, %dma_wait3A_52] : memref<10112x128xf32, #tpu.memory_space<vmem_shared>> -> memref<520x128xf32, #tpu.memory_space<vmem_shared>>
        tpu.wait_dma2 semaphore(%run_scoped3A : memref<!tpu.dma_semaphore, #tpu.memory_space<semaphore_mem>>) src(%dma_wait3A_53 : memref<520x128xf32, #tpu.memory_space<vmem_shared>>) dst(%dma_wait3A_50 : memref<520x128xf32, #tpu.memory_space<hbm>>)
        tpu.yield
      }) : () -> ()
    } else {
    }
    return
  }
}

#map = affine_map<(d0, d1) -> (0)>
module attributes {stable_mosaic.version = 14 : i64} {
  func.func @_dist2_body(%arg0: i32, %arg1: i32, %arg2: memref<30000xf32, #tpu.memory_space<hbm>>, %arg3: memref<160256xi32, #tpu.memory_space<hbm>>, %arg4: memref<160256xi32, #tpu.memory_space<hbm>>, %arg5: memref<160256xf32, #tpu.memory_space<hbm>>, %arg6: memref<30000xf32, #tpu.memory_space<vmem>>, %arg7: memref<5008xi32, #tpu.memory_space<vmem>>, %arg8: memref<5008xi32, #tpu.memory_space<vmem>>, %arg9: memref<5008xf32, #tpu.memory_space<vmem>>) attributes {dimension_semantics = [#tpu.dimension_semantics<core_parallel>, #tpu.dimension_semantics<subcore_parallel>], iteration_bounds = array<i64: 2, 16>, scalar_prefetch = 0 : i64, scratch_operands = 4 : i64, tpu.core_type = #tpu.core_type<sc_vector_subcore>, window_params = [{transform_indices = #map}, {transform_indices = #map}, {transform_indices = #map}, {transform_indices = #map}]} {
    %mul3A = arith.constant 2 : i32
    %mul3A_0 = arith.muli %arg1, %mul3A : i32
    %add3A = arith.addi %mul3A_0, %arg0 : i32
    %mul3A_1 = arith.constant 5008 : i32
    %mul3A_2 = arith.muli %add3A, %mul3A_1 : i32
    "tpu.region"() ({
      %run_scoped3A = tpu.sem_alloc : memref<!tpu.dma_semaphore, #tpu.memory_space<semaphore_mem>>
      tpu.enqueue_dma source(%arg2 : memref<30000xf32, #tpu.memory_space<hbm>>) target(%arg6 : memref<30000xf32, #tpu.memory_space<vmem>>) target_semaphore(%run_scoped3A : memref<!tpu.dma_semaphore, #tpu.memory_space<semaphore_mem>>)
      tpu.wait_dma2 semaphore(%run_scoped3A : memref<!tpu.dma_semaphore, #tpu.memory_space<semaphore_mem>>) src(%arg2 : memref<30000xf32, #tpu.memory_space<hbm>>) dst(%arg6 : memref<30000xf32, #tpu.memory_space<vmem>>)
      tpu.yield
    }) : () -> ()
    "tpu.region"() ({
      %run_scoped3A = tpu.sem_alloc : memref<!tpu.dma_semaphore, #tpu.memory_space<semaphore_mem>>
      %dma_start3A = tpu.memref_slice %arg3[%mul3A_2] : memref<160256xi32, #tpu.memory_space<hbm>> -> memref<5008xi32, #tpu.memory_space<hbm>>
      %dma_start3A_8 = tpu.memref_slice %arg3[%mul3A_2] : memref<160256xi32, #tpu.memory_space<hbm>> -> memref<5008xi32, #tpu.memory_space<hbm>>
      tpu.enqueue_dma source(%dma_start3A_8 : memref<5008xi32, #tpu.memory_space<hbm>>) target(%arg7 : memref<5008xi32, #tpu.memory_space<vmem>>) target_semaphore(%run_scoped3A : memref<!tpu.dma_semaphore, #tpu.memory_space<semaphore_mem>>)
      %dma_wait3A = tpu.memref_slice %arg3[%mul3A_2] : memref<160256xi32, #tpu.memory_space<hbm>> -> memref<5008xi32, #tpu.memory_space<hbm>>
      %dma_wait3A_9 = tpu.memref_slice %arg3[%mul3A_2] : memref<160256xi32, #tpu.memory_space<hbm>> -> memref<5008xi32, #tpu.memory_space<hbm>>
      tpu.wait_dma2 semaphore(%run_scoped3A : memref<!tpu.dma_semaphore, #tpu.memory_space<semaphore_mem>>) src(%dma_wait3A_9 : memref<5008xi32, #tpu.memory_space<hbm>>) dst(%arg7 : memref<5008xi32, #tpu.memory_space<vmem>>)
      tpu.yield
    }) : () -> ()
    "tpu.region"() ({
      %run_scoped3A = tpu.sem_alloc : memref<!tpu.dma_semaphore, #tpu.memory_space<semaphore_mem>>
      %dma_start3A = tpu.memref_slice %arg4[%mul3A_2] : memref<160256xi32, #tpu.memory_space<hbm>> -> memref<5008xi32, #tpu.memory_space<hbm>>
      %dma_start3A_8 = tpu.memref_slice %arg4[%mul3A_2] : memref<160256xi32, #tpu.memory_space<hbm>> -> memref<5008xi32, #tpu.memory_space<hbm>>
      tpu.enqueue_dma source(%dma_start3A_8 : memref<5008xi32, #tpu.memory_space<hbm>>) target(%arg8 : memref<5008xi32, #tpu.memory_space<vmem>>) target_semaphore(%run_scoped3A : memref<!tpu.dma_semaphore, #tpu.memory_space<semaphore_mem>>)
      %dma_wait3A = tpu.memref_slice %arg4[%mul3A_2] : memref<160256xi32, #tpu.memory_space<hbm>> -> memref<5008xi32, #tpu.memory_space<hbm>>
      %dma_wait3A_9 = tpu.memref_slice %arg4[%mul3A_2] : memref<160256xi32, #tpu.memory_space<hbm>> -> memref<5008xi32, #tpu.memory_space<hbm>>
      tpu.wait_dma2 semaphore(%run_scoped3A : memref<!tpu.dma_semaphore, #tpu.memory_space<semaphore_mem>>) src(%dma_wait3A_9 : memref<5008xi32, #tpu.memory_space<hbm>>) dst(%arg8 : memref<5008xi32, #tpu.memory_space<vmem>>)
      tpu.yield
    }) : () -> ()
    %scan3A = arith.constant 0 : i32
    %scan3A_3 = arith.constant 0 : i32
    %scan3A_4 = arith.constant 313 : i32
    %scan3A_5 = arith.addi %scan3A_3, %scan3A_4 : i32
    %scan3A_6 = arith.constant 1 : i32
    scf.for %scan3A_8 = %scan3A_3 to %scan3A_5 step %scan3A_6  : i32 {
      %mul3A_9 = arith.constant 16 : i32
      %mul3A_10 = arith.muli %scan3A_8, %mul3A_9 : i32
      %get3A = arith.index_cast %mul3A_10 : i32 to index
      %get3A_11 = tpu.vector_load %arg7[%get3A] {strides = array<i32>} : memref<5008xi32, #tpu.memory_space<vmem>>, vector<16xi32>,
      %mul3A_12 = arith.constant 3 : i32
      %mul3A_13 = vector.broadcast %mul3A_12 : i32 to vector<16xi32>
      %mul3A_14 = arith.muli %get3A_11, %mul3A_13 : vector<16xi32>
      %get3A_15 = arith.index_cast %mul3A_10 : i32 to index
      %get3A_16 = tpu.vector_load %arg8[%get3A_15] {strides = array<i32>} : memref<5008xi32, #tpu.memory_space<vmem>>, vector<16xi32>,
      %mul3A_17 = arith.constant 3 : i32
      %mul3A_18 = vector.broadcast %mul3A_17 : i32 to vector<16xi32>
      %mul3A_19 = arith.muli %get3A_16, %mul3A_18 : vector<16xi32>
      %broadcast_in_dim3A = arith.constant 0.000000e+00 : f32
      %broadcast_in_dim3A_20 = vector.broadcast %broadcast_in_dim3A : f32 to vector<16xf32>
      %broadcast_in_dim3A_21 = arith.constant 0 : i32
      %broadcast_in_dim3A_22 = vector.broadcast %broadcast_in_dim3A_21 : i32 to vector<16xi32>
      %add3A_23 = arith.addi %mul3A_19, %broadcast_in_dim3A_22 : vector<16xi32>
      %gather3A = tpu.vector_load_idx %arg6[%add3A_23] : memref<30000xf32, #tpu.memory_space<vmem>>[vector<16xi32>], vector<16xf32>,
      %add3A_24 = arith.addi %mul3A_14, %broadcast_in_dim3A_22 : vector<16xi32>
      %gather3A_25 = tpu.vector_load_idx %arg6[%add3A_24] : memref<30000xf32, #tpu.memory_space<vmem>>[vector<16xi32>], vector<16xf32>,
      %sub3A = arith.subf %gather3A, %gather3A_25 : vector<16xf32>
      %mul3A_26 = arith.mulf %sub3A, %sub3A : vector<16xf32>
      %add3A_27 = arith.addf %broadcast_in_dim3A_20, %mul3A_26 : vector<16xf32>
      %broadcast_in_dim3A_28 = arith.constant 1 : i32
      %broadcast_in_dim3A_29 = vector.broadcast %broadcast_in_dim3A_28 : i32 to vector<16xi32>
      %add3A_30 = arith.addi %mul3A_19, %broadcast_in_dim3A_29 : vector<16xi32>
      %gather3A_31 = tpu.vector_load_idx %arg6[%add3A_30] : memref<30000xf32, #tpu.memory_space<vmem>>[vector<16xi32>], vector<16xf32>,
      %add3A_32 = arith.addi %mul3A_14, %broadcast_in_dim3A_29 : vector<16xi32>
      %gather3A_33 = tpu.vector_load_idx %arg6[%add3A_32] : memref<30000xf32, #tpu.memory_space<vmem>>[vector<16xi32>], vector<16xf32>,
      %sub3A_34 = arith.subf %gather3A_31, %gather3A_33 : vector<16xf32>
      %mul3A_35 = arith.mulf %sub3A_34, %sub3A_34 : vector<16xf32>
      %add3A_36 = arith.addf %add3A_27, %mul3A_35 : vector<16xf32>
      %broadcast_in_dim3A_37 = arith.constant 2 : i32
      %broadcast_in_dim3A_38 = vector.broadcast %broadcast_in_dim3A_37 : i32 to vector<16xi32>
      %add3A_39 = arith.addi %mul3A_19, %broadcast_in_dim3A_38 : vector<16xi32>
      %gather3A_40 = tpu.vector_load_idx %arg6[%add3A_39] : memref<30000xf32, #tpu.memory_space<vmem>>[vector<16xi32>], vector<16xf32>,
      %add3A_41 = arith.addi %mul3A_14, %broadcast_in_dim3A_38 : vector<16xi32>
      %gather3A_42 = tpu.vector_load_idx %arg6[%add3A_41] : memref<30000xf32, #tpu.memory_space<vmem>>[vector<16xi32>], vector<16xf32>,
      %sub3A_43 = arith.subf %gather3A_40, %gather3A_42 : vector<16xf32>
      %mul3A_44 = arith.mulf %sub3A_43, %sub3A_43 : vector<16xf32>
      %add3A_45 = arith.addf %add3A_36, %mul3A_44 : vector<16xf32>
      %swap3A = arith.index_cast %mul3A_10 : i32 to index
      %swap3A_46 = tpu.vector_load %arg9[%swap3A] {strides = array<i32>} : memref<5008xf32, #tpu.memory_space<vmem>>, vector<16xf32>,
      tpu.vector_store %arg9[%swap3A], %add3A_45 {strides = array<i32>} : memref<5008xf32, #tpu.memory_space<vmem>>, vector<16xf32>,
    }
    %scan3A_7 = arith.constant 313 : i32
    "tpu.region"() ({
      %run_scoped3A = tpu.sem_alloc : memref<!tpu.dma_semaphore, #tpu.memory_space<semaphore_mem>>
      %dma_start3A = tpu.memref_slice %arg5[%mul3A_2] : memref<160256xf32, #tpu.memory_space<hbm>> -> memref<5008xf32, #tpu.memory_space<hbm>>
      %dma_start3A_8 = tpu.memref_slice %arg5[%mul3A_2] : memref<160256xf32, #tpu.memory_space<hbm>> -> memref<5008xf32, #tpu.memory_space<hbm>>
      tpu.enqueue_dma source(%arg9 : memref<5008xf32, #tpu.memory_space<vmem>>) target(%dma_start3A_8 : memref<5008xf32, #tpu.memory_space<hbm>>) target_semaphore(%run_scoped3A : memref<!tpu.dma_semaphore, #tpu.memory_space<semaphore_mem>>)
      %dma_wait3A = tpu.memref_slice %arg5[%mul3A_2] : memref<160256xf32, #tpu.memory_space<hbm>> -> memref<5008xf32, #tpu.memory_space<hbm>>
      %dma_wait3A_9 = tpu.memref_slice %arg5[%mul3A_2] : memref<160256xf32, #tpu.memory_space<hbm>> -> memref<5008xf32, #tpu.memory_space<hbm>>
      tpu.wait_dma2 semaphore(%run_scoped3A : memref<!tpu.dma_semaphore, #tpu.memory_space<semaphore_mem>>) src(%arg9 : memref<5008xf32, #tpu.memory_space<vmem>>) dst(%dma_wait3A_9 : memref<5008xf32, #tpu.memory_space<hbm>>)
      tpu.yield
    }) : () -> ()
    return
  }
}

module attributes {stable_mosaic.version = 14 : i64} {
  func.func @_mlp_body(%arg0: i32, %arg1: memref<3200x1xf32, #tpu.memory_space<vmem>>, %arg2: memref<1x256xf32, #tpu.memory_space<vmem>>, %arg3: memref<256x256xf32, #tpu.memory_space<vmem>>, %arg4: memref<1x256xf32, #tpu.memory_space<vmem>>, %arg5: memref<256x256xf32, #tpu.memory_space<vmem>>, %arg6: memref<1x256xf32, #tpu.memory_space<vmem>>, %arg7: memref<3200x256xf32, #tpu.memory_space<vmem>>) attributes {dimension_semantics = [#tpu.dimension_semantics<arbitrary>], iteration_bounds = array<i64: 50>, scalar_prefetch = 0 : i64, scratch_operands = 0 : i64, tpu.core_type = #tpu.core_type<tc>, window_params = [{transform_indices = @transform_0, window_bounds = array<i64: 3200, 1>}, {pipeline_mode = #tpu.pipeline_mode<synchronous>, transform_indices = @transform_1, window_bounds = array<i64: 1, 256>}, {pipeline_mode = #tpu.pipeline_mode<synchronous>, transform_indices = @transform_2, window_bounds = array<i64: 256, 256>}, {pipeline_mode = #tpu.pipeline_mode<synchronous>, transform_indices = @transform_3, window_bounds = array<i64: 1, 256>}, {pipeline_mode = #tpu.pipeline_mode<synchronous>, transform_indices = @transform_4, window_bounds = array<i64: 256, 256>}, {pipeline_mode = #tpu.pipeline_mode<synchronous>, transform_indices = @transform_5, window_bounds = array<i64: 1, 256>}, {transform_indices = @transform_6, window_bounds = array<i64: 3200, 256>}]} {
    %get3A = arith.constant 0 : index
    %get3A_0 = arith.constant 0 : index
    %get3A_1 = vector.load %arg1[%get3A, %get3A_0] : memref<3200x1xf32, #tpu.memory_space<vmem>>, vector<3200x1xf32>
    %add3A = arith.constant 9.99999996E-13 : f32
    %add3A_2 = vector.broadcast %add3A : f32 to vector<3200x1xf32>
    %add3A_3 = arith.addf %get3A_1, %add3A_2 : vector<3200x1xf32>
    %sqrt3A = math.sqrt %add3A_3 : vector<3200x1xf32>
    %get3A_4 = arith.constant 0 : index
    %get3A_5 = arith.constant 0 : index
    %get3A_6 = vector.load %arg2[%get3A_4, %get3A_5] : memref<1x256xf32, #tpu.memory_space<vmem>>, vector<1x256xf32>
    %sub3A = vector.broadcast %sqrt3A : vector<3200x1xf32> to vector<3200x256xf32>
    %sub3A_7 = vector.broadcast %get3A_6 : vector<1x256xf32> to vector<3200x256xf32>
    %sub3A_8 = arith.subf %sub3A, %sub3A_7 : vector<3200x256xf32>
    %mul3A = arith.mulf %sub3A_8, %sub3A_8 : vector<3200x256xf32>
    %mul3A_9 = arith.constant -14.4269505 : f32
    %mul3A_10 = vector.broadcast %mul3A_9 : f32 to vector<3200x256xf32>
    %mul3A_11 = arith.mulf %mul3A, %mul3A_10 : vector<3200x256xf32>
    %exp23A = math.exp2 %mul3A_11 : vector<3200x256xf32>
    %get3A_12 = arith.constant 0 : index
    %get3A_13 = arith.constant 0 : index
    %get3A_14 = vector.load %arg3[%get3A_12, %get3A_13] : memref<256x256xf32, #tpu.memory_space<vmem>>, vector<256x256xf32>
    %dot_general3A = arith.constant dense<0.000000e+00> : vector<3200x256xf32>
    %dot_general3A_15 = tpu.matmul %exp23A, %get3A_14, %dot_general3A {dimension_numbers = #tpu.dot_dimension_numbers<[1], [0], [0], [1], [0, 0, 1, 1], [], []>, transpose_lhs_hint = false} : vector<3200x256xf32>, vector<256x256xf32>, vector<3200x256xf32> -> vector<3200x256xf32>
    %get3A_16 = arith.constant 0 : index
    %get3A_17 = arith.constant 0 : index
    %get3A_18 = vector.load %arg4[%get3A_16, %get3A_17] : memref<1x256xf32, #tpu.memory_space<vmem>>, vector<1x256xf32>
    %add3A_19 = vector.broadcast %get3A_18 : vector<1x256xf32> to vector<3200x256xf32>
    %add3A_20 = arith.addf %dot_general3A_15, %add3A_19 : vector<3200x256xf32>
    %exp23A_21 = math.exp2 %add3A_20 : vector<3200x256xf32>
    %add3A_22 = arith.constant 1.000000e+00 : f32
    %add3A_23 = vector.broadcast %add3A_22 : f32 to vector<3200x256xf32>
    %add3A_24 = arith.addf %add3A_23, %exp23A_21 : vector<3200x256xf32>
    %log3A = math.log %add3A_24 : vector<3200x256xf32>
    %sub3A_25 = arith.constant 0.693147182 : f32
    %sub3A_26 = vector.broadcast %sub3A_25 : f32 to vector<3200x256xf32>
    %sub3A_27 = arith.subf %log3A, %sub3A_26 : vector<3200x256xf32>
    %get3A_28 = arith.constant 0 : index
    %get3A_29 = arith.constant 0 : index
    %get3A_30 = vector.load %arg5[%get3A_28, %get3A_29] : memref<256x256xf32, #tpu.memory_space<vmem>>, vector<256x256xf32>
    %dot_general3A_31 = arith.constant dense<0.000000e+00> : vector<3200x256xf32>
    %dot_general3A_32 = tpu.matmul %sub3A_27, %get3A_30, %dot_general3A_31 {dimension_numbers = #tpu.dot_dimension_numbers<[1], [0], [0], [1], [0, 0, 1, 1], [], []>, transpose_lhs_hint = false} : vector<3200x256xf32>, vector<256x256xf32>, vector<3200x256xf32> -> vector<3200x256xf32>
    %get3A_33 = arith.constant 0 : index
    %get3A_34 = arith.constant 0 : index
    %get3A_35 = vector.load %arg6[%get3A_33, %get3A_34] : memref<1x256xf32, #tpu.memory_space<vmem>>, vector<1x256xf32>
    %add3A_36 = vector.broadcast %get3A_35 : vector<1x256xf32> to vector<3200x256xf32>
    %add3A_37 = arith.addf %dot_general3A_32, %add3A_36 : vector<3200x256xf32>
    %max3A = arith.constant 0.000000e+00 : f32
    %max3A_38 = vector.broadcast %max3A : f32 to vector<3200x256xf32>
    %max3A_39 = arith.maximumf %add3A_37, %max3A_38 : vector<3200x256xf32>
    %abs3A = math.absf %add3A_37 : vector<3200x256xf32>
    %mul3A_40 = arith.constant -1.44269502 : f32
    %mul3A_41 = vector.broadcast %mul3A_40 : f32 to vector<3200x256xf32>
    %mul3A_42 = arith.mulf %abs3A, %mul3A_41 : vector<3200x256xf32>
    %exp23A_43 = math.exp2 %mul3A_42 : vector<3200x256xf32>
    %add3A_44 = arith.constant 1.000000e+00 : f32
    %add3A_45 = vector.broadcast %add3A_44 : f32 to vector<3200x256xf32>
    %add3A_46 = arith.addf %add3A_45, %exp23A_43 : vector<3200x256xf32>
    %log3A_47 = math.log %add3A_46 : vector<3200x256xf32>
    %add3A_48 = arith.addf %max3A_39, %log3A_47 : vector<3200x256xf32>
    %sub3A_49 = arith.constant 0.693147182 : f32
    %sub3A_50 = vector.broadcast %sub3A_49 : f32 to vector<3200x256xf32>
    %sub3A_51 = arith.subf %add3A_48, %sub3A_50 : vector<3200x256xf32>
    %swap3A = arith.constant 0 : index
    %swap3A_52 = arith.constant 0 : index
    %swap3A_53 = vector.load %arg7[%swap3A, %swap3A_52] : memref<3200x256xf32, #tpu.memory_space<vmem>>, vector<3200x256xf32>
    tpu.vector_store %arg7[%swap3A, %swap3A_52], %sub3A_51 {strides = array<i32>} : memref<3200x256xf32, #tpu.memory_space<vmem>>, vector<3200x256xf32>,
    return
  }
  func.func @transform_0(%arg0: i32) -> (i32, i32) {
    %c0_i32 = arith.constant 0 : i32
    %c0_i32_0 = arith.constant 0 : i32
    return %arg0, %c0_i32 : i32, i32
  }
  func.func @transform_1(%arg0: i32) -> (i32, i32) {
    %c0_i32 = arith.constant 0 : i32
    %c0_i32_0 = arith.constant 0 : i32
    %c0_i32_1 = arith.constant 0 : i32
    return %c0_i32, %c0_i32_0 : i32, i32
  }
  func.func @transform_2(%arg0: i32) -> (i32, i32) {
    %c0_i32 = arith.constant 0 : i32
    %c0_i32_0 = arith.constant 0 : i32
    %c0_i32_1 = arith.constant 0 : i32
    return %c0_i32, %c0_i32_0 : i32, i32
  }
  func.func @transform_3(%arg0: i32) -> (i32, i32) {
    %c0_i32 = arith.constant 0 : i32
    %c0_i32_0 = arith.constant 0 : i32
    %c0_i32_1 = arith.constant 0 : i32
    return %c0_i32, %c0_i32_0 : i32, i32
  }
  func.func @transform_4(%arg0: i32) -> (i32, i32) {
    %c0_i32 = arith.constant 0 : i32
    %c0_i32_0 = arith.constant 0 : i32
    %c0_i32_1 = arith.constant 0 : i32
    return %c0_i32, %c0_i32_0 : i32, i32
  }
  func.func @transform_5(%arg0: i32) -> (i32, i32) {
    %c0_i32 = arith.constant 0 : i32
    %c0_i32_0 = arith.constant 0 : i32
    %c0_i32_1 = arith.constant 0 : i32
    return %c0_i32, %c0_i32_0 : i32, i32
  }
  func.func @transform_6(%arg0: i32) -> (i32, i32) {
    %c0_i32 = arith.constant 0 : i32
    %c0_i32_0 = arith.constant 0 : i32
    return %arg0, %c0_i32 : i32, i32
  }
}

</mosaic_0001>

<sc_bundles>
// kernel: kernel.5.cloned.1.call-start
scs
__scs_entry_jumppad:
0x0: {  	(pc) =	sbr.rel $0x88, $3  }
0x1: {  	(tag) =	ssettag $0x0;
	lr =	simm.s32 $0x1  }
0x2: {  	[smem:$0x3F9B] =	sst lr;
	_ =	strace $0xD0000000  }
0x3: {  	_ = 	snop  }
0x4: {  	_ = 	snop  }
0x5: {  	_ = 	snop  }
0x6: {  	_ = 	snop  }
0x7: {  	_ = 	snop  }
__scs_overlays_trampoline_lowered:
0x8: {  	[smem:$0x3FAA] =	sst s0  }
0x9: {  	[smem:$0x3FAB] =	sst s1  }
0xa: {  	[smem:$0x3FAC] =	sst s2  }
0xb: {  	[smem:$0x3FAD] =	sst s3  }
0xc: {  	[smem:$0x3FAE] =	sst s4  }
0xd: {  	[smem:$0x3FAF] =	sst s5  }
0xe: {  	[smem:$0x3FB0] =	sst s6  }
0xf: {  	[smem:$0x3FB1] =	sst s7  }
0x10: {  	[smem:$0x3FB2] =	sst s8  }
0x11: {  	[smem:$0x3FB3] =	sst s9;
	s0 =	simm.s32 @!p0 $0x0  }
0x12: {  	s1 =	sld [smem:$0x3F99];
	s0 =	simm.s32 @p0 $0x1  }
0x13: {  	[smem:$0x3FB4] =	sst s0;
	s0 =	simm.s32 @!p1 $0x0  }
0x14: {  	s2 =	sld [smem:$0x3F98];
	s0 =	simm.s32 @p1 $0x1  }
0x15: {  	[smem:$0x3FB5] =	sst s0;
	s0 =	simm.s32 @!p2 $0x0  }
0x16: {  	s3 =	sld [smem:$0x3FDB];
	s0 =	simm.s32 @p2 $0x1  }
0x17: {  	s4 =	simm.s32 $0x1BF5;
	[smem:$0x3FB7] =	sst s0  }
0x18: {  	s0 =	sld [smem:$0x3F9A];
	_ =	swait.ge [sflag:s4], $0x0  }
0x19: {  	s7 =	sld [smem:$0x3F9B]  }
0x1a: {  	s8 =	sadd.s32 $0xFFFFE003, lr  }
0x1b: {  	s9 =	sadd.s32 $0xFFFFFEF7, lr;
	s5 =	simm.s32 $0xFFFFFFFF;
	p2 =	slt.u32 s8, $0xFFFFF086  }
0x1c: {  	p1 =	slt.u32 s9, $0xF7A;
	s5 =	simm.s32 @!p2 $0x0  }
0x1d: {  	s5 =	simm.s32 @p1 $0x1;
	p0 =	seq.s32 s7, s2  }
0x1e: {  	s7 =	smul.u32 @!p0 $0xF7A, s2;
	p2 =	seq.s32 @!p0 s5, $0x0  }
0x1f: {  	s9 =	smul.u32 $0xF7A, s1;
	s8 =	simm.s32 @!p0 $0x1BF5;
	p2 =	por !p2, p0  }
0x20: {  	[sflag:s8] =	ssyncset.s32 @!p0 $0xFFFFF086;
	s6 =	sadd.s32 @!p0 s3, s7;
	s7 =	simm.s32 @!p0 $0x108  }
0x21: {  	s3 =	sadd.s32 s3, s9;
	s6 =	sadd.s32 @!p0 $0x88, s6;
	s7 =	simm.s32 @p2 $0x1082  }
0x22: {  	[simem:s7], [sflag:s8] =	dma.local @!p0 [hbm:s6], $0xF7A  }
0x23: {  	s9 =	sor.u32 $0xD0000000, s2;
	s6 =	simm.s32 $0x108;
	_ =	swait.ge @!p0 [sflag:s8], $0x0  }
0x24: {  	s3 =	sadd.s32 $0x88, s3;
	s6 =	simm.s32 @!p1 $0x1082;
	[sflag:s4] =	ssyncset.s32 $0xFFFFF086  }
0x25: {  	[simem:s6], [sflag:s4] =	dma.local [hbm:s3], $0xF7A  }
0x26: {  	[smem:$0x3F9B] =	sst s1;
	(tag) =	ssettag s2;
	_ =	strace s9  }
0x27: {  	s1 =	sld [smem:$0x3FAB]  }
0x28: {  	s2 =	sld [smem:$0x3FAC]  }
0x29: {  	s4 =	sld [smem:$0x3FAE]  }
0x2a: {  	p0 =	seq.s32 s5, $0x0;
	s5 =	sld [smem:$0x3FAF]  }
0x2b: {  	s6 =	sld [smem:$0x3FB0]  }
0x2c: {  	s7 =	sld [smem:$0x3FB1]  }
0x2d: {  	s3 =	simm.s32 $0x108;
	s8 =	sld [smem:$0x3FB2]  }
0x2e: {  	s3 =	simm.s32 @!p0 $0x1082;
	s9 =	sld [smem:$0x3FB3]  }
0x2f: {  	lr =	sadd.s32 s0, s3;
	s0 =	sld [smem:$0x3FAA]  }
0x30: {  	s3 =	sld [smem:$0x3FAD]  }
0x31: {  	[smem:$0x3FB6] =	sst s10  }
0x32: {  	s10 =	sld [smem:$0x3FB4];
	_ =	sdelay $0x3  }
0x33: {  	p0 =	seq.s32 s10, $0x1;
	s10 =	sld [smem:$0x3FB6];
	_ =	sdelay $0x3  }
0x34: {  	[smem:$0x3FB6] =	sst s10  }
0x35: {  	s10 =	sld [smem:$0x3FB5];
	_ =	sdelay $0x3  }
0x36: {  	p1 =	seq.s32 s10, $0x1;
	s10 =	sld [smem:$0x3FB6];
	_ =	sdelay $0x3  }
0x37: {  	[smem:$0x3FB6] =	sst s10  }
0x38: {  	s10 =	sld [smem:$0x3FB7]  }
0x39: {  	_ = 	snop;
	(pc) =	sbr.ind lr, $3  }
0x3a: {  	_ = 	snop  }
0x3b: {  	_ = 	snop  }
0x3c: {  	p2 =	seq.s32 s10, $0x1;
	s10 =	sld [smem:$0x3FB6]  }
0x3d: {  	_ =	shalt  }
0x3e: {  	_ =	shalt  }
0x3f: {  	_ =	shalt  }
0x40: {  	_ =	shalt  }
0x41: {  	_ =	shalt  }
0x42: {  	_ =	shalt  }
0x43: {  	_ =	shalt  }
0x44: {  	_ =	shalt  }
0x45: {  	_ =	shalt  }
0x46: {  	_ =	shalt  }
0x47: {  	_ =	shalt  }
0x48: {  	_ =	shalt  }
0x49: {  	_ =	shalt  }
0x4a: {  	_ =	shalt  }
0x4b: {  	_ =	shalt  }
0x4c: {  	_ =	shalt  }
0x4d: {  	_ =	shalt  }
0x4e: {  	_ =	shalt  }
0x4f: {  	_ =	shalt  }
0x50: {  	_ =	shalt  }
0x51: {  	_ =	shalt  }
0x52: {  	_ =	shalt  }
0x53: {  	_ =	shalt  }
0x54: {  	_ =	shalt  }
0x55: {  	_ =	shalt  }
0x56: {  	_ =	shalt  }
0x57: {  	_ =	shalt  }
0x58: {  	_ =	shalt  }
0x59: {  	_ =	shalt  }
0x5a: {  	_ =	shalt  }
0x5b: {  	_ =	shalt  }
0x5c: {  	_ =	shalt  }
0x5d: {  	_ =	shalt  }
0x5e: {  	_ =	shalt  }
0x5f: {  	_ =	shalt  }
0x60: {  	_ =	shalt  }
0x61: {  	_ =	shalt  }
0x62: {  	_ =	shalt  }
0x63: {  	_ =	shalt  }
0x64: {  	_ =	shalt  }
0x65: {  	_ =	shalt  }
0x66: {  	_ =	shalt  }
0x67: {  	_ =	shalt  }
0x68: {  	_ =	shalt  }
0x69: {  	_ =	shalt  }
0x6a: {  	_ =	shalt  }
0x6b: {  	_ =	shalt  }
0x6c: {  	_ =	shalt  }
0x6d: {  	_ =	shalt  }
0x6e: {  	_ =	shalt  }
0x6f: {  	_ =	shalt  }
0x70: {  	_ =	shalt  }
0x71: {  	_ =	shalt  }
0x72: {  	_ =	shalt  }
0x73: {  	_ =	shalt  }
0x74: {  	_ =	shalt  }
0x75: {  	_ =	shalt  }
0x76: {  	_ =	shalt  }
0x77: {  	_ =	shalt  }
0x78: {  	_ =	shalt  }
0x79: {  	_ =	shalt  }
0x7a: {  	_ =	shalt  }
0x7b: {  	_ =	shalt  }
0x7c: {  	_ =	shalt  }
0x7d: {  	_ =	shalt  }
0x7e: {  	_ =	shalt  }
0x7f: {  	_ =	shalt  }
0x80: {  	_ =	shalt  }
0x81: {  	_ =	shalt  }
0x82: {  	_ =	shalt  }
0x83: {  	_ =	shalt  }
0x84: {  	_ =	shalt  }
0x85: {  	_ =	shalt  }
0x86: {  	_ =	shalt  }
0x87: {  	_ =	shalt  }
.Lfunc_end0:
.L_simem_size_0:
called_computation_lowered:
.L_overlay_start_0:
0x88: {  	s2 =	sld [smem:$0x3FD9]  }
0x89: {  	s3 =	sld [smem:$0x3FFE];
	_ =	sdelay $0x1  }
0x8a: {  	s1 =	srdreg.scid  }
0x8b: {  	s0 =	sand.u32 $0x1, s1  }
0x8c: {  	s17 =	sshll.u32 s0, $0xA;
	s2 =	sadd.s32 s3, s2  }
0x8d: {  	s2 =	sadd.s32 s2, s17  }
0x8e: {  	[smem:$0x3FC2] =	sst s2  }
0x8f: {  	_ = 	snop  }
0x90: {  	s2 =	sld [smem:$0x3FD0];
	(tm) =	ssettm $0x1  }
0x91: {  	s18 =	sld [smem:$0x3FFB];
	_ =	sdelay $0x3  }
0x92: {  	_ =	strace s18  }
0x93: {  	s3 =	sld [smem:$0x3FFC];
	_ =	sdelay $0x3  }
0x94: {  	_ =	strace s3  }
0x95: {  	s3 =	sld [smem:$0x3FFD];
	_ =	sdelay $0x3  }
0x96: {  	_ =	strace s3  }
0x97: {  	_ =	strace $0x8FFFFFFF  }
0x98: {  	s19 =	sld [smem:$0x3FDB];
	_ =	sdelay $0x1  }
0x99: {  	s4 =	simm.s32 $_scs_section_size  }
0x9a: {  	s5 =	simm.s32 $_size__tile_overlayer_lowered;
	s6 =	simm.s32 $_tile_overlayer_lowered  }
0x9b: {  	s22 =	simm.s32 $0x1BFF;
	s21 =	sshll.u32 s6, $0x1;
	s3 =	sadd.s32 s4, s19  }
0x9c: {  	s7 =	simm.s32 $0x0;
	s20 =	sshll.u32 s5, $0x1;
	s5 =	sadd.s32 s21, s3  }
0x9d: {  	[timem:s7], [sflag:s22] =	dma.local [hbm:s5], s20  }
0x9e: {  	_ =	swait.ge [sflag:s22], s20  }
0x9f: {  	s4 =	ssub.s32 $0x0, s20;
	[sflag:s22] =	ssyncset.done $0x0  }
0xa0: {  	[sflag:s22] =	ssyncadd.s32 s4;
	_ =	sdelay $0x1  }
0xa1: {  	s23 =	simm.s32 $0x1B8B  }
0xa2: {  	_ =	swait.ge [sflag:s23], $0x1  }
0xa3: {  	[sflag:s23] =	ssyncset.done $0x0  }
0xa4: {  	s25 =	simm.s32 $0x1B8E;
	s24 =	sld [smem:$0x3FFE];
	[sflag:s23] =	ssyncadd.s32 $0xFFFFFFFF  }
0xa5: {  	s26 =	simm.s32 $execute0_lowered;
	[smem:$0x3FD2] =	sst s25  }
0xa6: {  	s5 =	sshll.u32 s26, $0x1;
	_ =	strace $0x80000046;
	[dreg:$0x1] =	wrdreg $0xFFFFFFFF  }
0xa7: {  	s28 =	simm.s32 $_size_execute0_lowered;
	s3 =	sadd.s32 s3, s5;
	[dreg:$0x0] =	wrdreg $0x0  }
0xa8: {  	s5 =	sshll.u32 s28, $0x1;
	[dreg:$0x2] =	wrdreg s3  }
0xa9: {  	[dreg:$0x3] =	wrdreg s5  }
0xaa: {  	[dreg:$0x4] =	wrdreg $0xC0  }
0xab: {  	_ =	task [dreg:s7], $0x5FFFF  }
0xac: {  	[dreg:$0x1] =	wrdreg $0xFFFFFFFF  }
0xad: {  	[dreg:$0x0] =	wrdreg $0x60  }
0xae: {  	[dreg:$0x2] =	wrdreg s24  }
0xaf: {  	[dreg:$0x3] =	wrdreg s2  }
0xb0: {  	[dreg:$0x4] =	wrdreg $0x9  }
0xb1: {  	_ =	task.clear_ibuf [dreg:s7], $0x5FFFF;
	_ =	strace $0x90000046  }
0xb2: {  	s29 =	simm.s32 $0x9;
	_ =	strace $0x80000048  }
0xb3: {  	_ =	swait.ge [sflag:s29], $0x1  }
0xb4: {  	[sflag:s29] =	ssyncadd.s32 $0xFFFFFFFF  }
0xb5: {  	_ =	strace $0x90000048  }
0xb6: {  	_ =	sfence  }
0xb7: {  	s30 =	sld [smem:$0x0];
	_ =	sdelay $0x2  }
0xb8: {  	s31 =	sshll.u32 s1, $0xD;
	s1 =	sshrl.u32 s1, $0x2  }
0xb9: {  	s3 =	sand.u32 $0x4000, s31;
	s1 =	sadd.s32 s1, s30  }
0xba: {  	s0 =	sor.u32 s3, s0;
	s1 =	sshll.u32 s1, $0x11  }
0xbb: {  	s0 =	sor.u32 s1, s0  }
0xbc: {  	s0 =	sadd.s32 $0x8F2B, s0  }
0xbd: {  	[sflag:s0] =	ssyncadd.remote.s32 $0x1  }
0xbe: {  	_ =	sfence.sel $0xFFFF  }
0xbf: {  	[dreg:$0x0] =	wrdreg $0xFFFFFFFF;
	(pc) =	sbr.abs _section_cstart, $3  }
0xc0: {  	[dreg:$0x1] =	wrdreg $0xFFFFFFFF  }
0xc1: {  	_ =	task.clear_ibuf [dreg:s7], $0x2FFFF;
	_ =	strace $0x9FFFFFFF  }
0xc2: {  	(tm) =	ssettm $0x7FFFFFFF  }
0xc3: {  	_ =	shalt  }
tec
execute0_lowered:
.L_overlay_start_1:
0x0: {  	(tag) =	ssettag $0x1  }
0x1: {  	s4 =	rddreg [dreg:$0x0];
	s1 =	srdreg.scid  }
0x2: {  	s0 =	stileid.u32;
	s5 =	rddreg [dreg:$0x1];
	s2 =	simm.s32 $0x0  }
0x3: {  	s10 =	simm.s32 $0x8980;
	s11 =	simm.s32 $0x9D80;
	s12 =	simm.s32 $0x0  }
0x4: {  	s3 =	sand.u32 $0x1, s1;
	s6 =	sshll.u32 s0, $0x1;
	s1 =	rddreg [dreg:$0x2]  }
0x5: {  	[smem:$0x7FF] =	sst s2;
	s6 =	sor.u32 s3, s6;
	s7 =	ssub.s32 $0x2, s3  }
0x6: {  	_ =	strace $0x80000047;
	s6 =	smul.u32 $0x272, s6;
	s8 =	sshrl.u32 s7, $0x1  }
0x7: {  	s3 =	sadd.s32 $0xA600, s4;
	s7 =	ssub.s32 s7, s8;
	s8 =	simm.s32 $0x1  }
0x8: {  	s9 =	sadd.s32 s6, s4;
	s4 =	sadd.s32 s5, s6;
	s7 =	smax.u32 s7, $0x1  }
0x9: {  	s5 =	sadd.s32 $0x5600, s9;
	s6 =	sadd.s32 $0xB600, s9;
	s9 =	simm.s32 $0x7580  }
.LBB2_1:
0xa: {  	[tilespmem:s2], [sflag:$0x1] =	stream.linear.gather [hbm4b:s3+s2], $0x7580, $0x38;
	[tilespmem:$0xB180] =	vst v63  }
0xb: {  	_ =	swait.ge [sflag:s8], $0x7580  }
0xc: {  	[sflag:s8] =	ssyncset.done $0x0  }
0xd: {  	[sflag:s8] =	ssyncadd.s32 $0xFFFF8A80  }
0xe: {  	[tilespmem:s9], [sflag:$0x1] =	stream.linear.gather [hbm4b:s4+s2], $0x1390, $0x38;
	[tilespmem:$0xB180] =	vst v63  }
0xf: {  	_ =	swait.ge [sflag:s8], $0x1390  }
0x10: {  	[sflag:s8] =	ssyncset.done $0x0  }
0x11: {  	[sflag:s8] =	ssyncadd.s32 $0xFFFFEC70  }
0x12: {  	[tilespmem:s10], [sflag:$0x1] =	stream.linear.gather [hbm4b:s5+s2], $0x1390, $0x38;
	[tilespmem:$0xB180] =	vst v63  }
0x13: {  	_ =	swait.ge [sflag:s8], $0x1390  }
0x14: {  	[sflag:s8] =	ssyncset.done $0x0  }
0x15: {  	s13 =	simm.s32 $0x0;
	[sflag:s8] =	ssyncadd.s32 $0xFFFFEC70  }
0x16: {  	v0 =	vld [tilespmem:s13+$0x7580]  }
0x17: {  	v1 =	vld [tilespmem:s13+$0x8980];
	_ =	sdelay $0x3  }
0x18: {  	v2 =	vmul.u32 $0x3, v0  }
0x19: {  	v1 =	vmul.u32 $0x3, v1;
	_ =	sdelay $0x1  }
0x1a: {  	v3 =	vadd.s32 $0x1, v1  }
0x1b: {  	v4 =	vadd.s32 $0x1, v2  }
0x1c: {  	v6 =	vadd.s32 $0x2, v1  }
0x1d: {  	v7 =	vadd.s32 $0x2, v2;
	v0 =	vld.idx.msk [tilespmem:v2+s2+$0x0], $0xffff  }
0x1e: {  	v2 =	vld.idx.msk [tilespmem:v1+s2+$0x0], $0xffff  }
0x1f: {  	v3 =	vld.idx.msk [tilespmem:v3+s2+$0x0], $0xffff  }
0x20: {  	v5 =	vld.idx.msk [tilespmem:v4+s2+$0x0], $0xffff  }
0x21: {  	v1 =	vld.idx.msk [tilespmem:v6+s2+$0x0], $0xffff  }
0x22: {  	s14 =	simm.s32 $0x10;
	v4 =	vld.idx.msk [tilespmem:v7+s2+$0x0], $0xffff  }
0x23: {  	v6 =	vld [tilespmem:s14+$0x7580]  }
0x24: {  	s15 =	simm.s32 $0x80;
	v7 =	vld [tilespmem:s14+$0x8980]  }
.LBB2_2:
0x25: {  	p0 =	sne.s32 s15, $0x4E00;
	v0 =	vsub.f32 v2, v0;
	v2 =	vsub.f32 v3, v5;
	_ =	sdelay $0x1  }
0x26: {  	v1 =	vsub.f32 v1, v4;
	v0 =	vmul.f32 v0, v0;
	v2 =	vmul.f32 v2, v2  }
0x27: {  	v3 =	vmul.u32 $0x3, v6  }
0x28: {  	v1 =	vmul.f32 v1, v1;
	v4 =	vmul.u32 $0x3, v7;
	v0 =	vadd.f32 v2, v0;
	_ =	sdelay $0x1  }
0x29: {  	v5 =	vadd.s32 $0x1, v4;
	v0 =	vadd.f32 v1, v0  }
0x2a: {  	v1 =	vadd.s32 $0x1, v3  }
0x2b: {  	v6 =	vadd.s32 $0x2, v4;
	[tilespmem:s13+$0x9D80] =	vst v0;
	s13 =	smov.u32 s14  }
0x2c: {  	v7 =	vadd.s32 $0x2, v3;
	v0 =	vld.idx.msk [tilespmem:v3+s2+$0x0], $0xffff  }
0x2d: {  	v2 =	vld.idx.msk [tilespmem:v4+s2+$0x0], $0xffff  }
0x2e: {  	v3 =	vld.idx.msk [tilespmem:v5+s2+$0x0], $0xffff  }
0x2f: {  	v5 =	vld.idx.msk [tilespmem:v1+s2+$0x0], $0xffff  }
.Ltmp0:
0x30: {  	v1 =	vld.idx.msk [tilespmem:v6+s2+$0x0], $0xffff;
	(pc) =	sbr.rel @p0 .LBB2_2-.Ltmp0, $4  }
0x31: {  	v4 =	vld.idx.msk [tilespmem:v7+s2+$0x0], $0xffff  }
0x32: {  	s14 =	sshra.s32 s15, $0x2  }
0x33: {  	v6 =	vld [tilespmem:s14+$0x7580]  }
0x34: {  	s15 =	sadd.s32 $0x40, s15;
	v7 =	vld [tilespmem:s14+$0x8980]  }
0x35: {  	v0 =	vsub.f32 v2, v0;
	v56 =	vsub.f32 v3, v5;
	_ =	sdelay $0x1  }
0x36: {  	v1 =	vsub.f32 v1, v4;
	v0 =	vmul.f32 v0, v0;
	v2 =	vmul.f32 v56, v56  }
0x37: {  	v57 =	vmul.u32 $0x3, v6  }
0x38: {  	v1 =	vmul.f32 v1, v1;
	v58 =	vmul.u32 $0x3, v7;
	v0 =	vadd.f32 v2, v0;
	_ =	sdelay $0x1  }
0x39: {  	v60 =	vadd.s32 $0x1, v57;
	v0 =	vadd.f32 v1, v0  }
0x3a: {  	v59 =	vadd.s32 $0x1, v58  }
0x3b: {  	v3 =	vadd.s32 $0x2, v57;
	[tilespmem:s13+$0x9D80] =	vst v0  }
0x3c: {  	v61 =	vadd.s32 $0x2, v58;
	v0 =	vld.idx.msk [tilespmem:v57+s2+$0x0], $0xffff  }
0x3d: {  	v4 =	vld.idx.msk [tilespmem:v58+s2+$0x0], $0xffff  }
0x3e: {  	v1 =	vld.idx.msk [tilespmem:v60+s2+$0x0], $0xffff  }
0x3f: {  	v2 =	vld.idx.msk [tilespmem:v59+s2+$0x0], $0xffff  }
0x40: {  	v3 =	vld.idx.msk [tilespmem:v3+s2+$0x0], $0xffff  }
0x41: {  	v5 =	vld.idx.msk [tilespmem:v61+s2+$0x0], $0xffff;
	_ =	sdelay $0x2  }
0x42: {  	v0 =	vsub.f32 v4, v0;
	v1 =	vsub.f32 v2, v1;
	_ =	sdelay $0x1  }
0x43: {  	v62 =	vsub.f32 v5, v3;
	v0 =	vmul.f32 v0, v0;
	v1 =	vmul.f32 v1, v1;
	_ =	sdelay $0x1  }
0x44: {  	v63 =	vmul.f32 v62, v62;
	v0 =	vadd.f32 v1, v0;
	_ =	sdelay $0x1  }
0x45: {  	s12 =	sadd.s32 $0x1, s12;
	v0 =	vadd.f32 v63, v0  }
0x46: {  	p0 =	sne.s32 s12, s7  }
.Ltmp1:
0x47: {  	[tilespmem:s14+$0x9D80] =	vst v0;
	(pc) =	sbr.rel @p0 .LBB2_1-.Ltmp1, $4  }
0x48: {  	[hbm4b:s6+s2] =	stream.linear.scatter [tilespmem:s11], [sflag:$0x1], $0x1390, $0x38;
	[tilespmem:$0xB180] =	vst v63  }
0x49: {  	_ =	swait.ge [sflag:s8], $0x1390  }
0x4a: {  	[sflag:s8] =	ssyncset.done $0x0  }
0x4b: {  	[sflag:s8] =	ssyncadd.s32 $0xFFFFEC70  }
0x4c: {  	_ =	sfence.sel $0x180000  }
0x4d: {  	[bflag:$0x0] =	sbarrier.arrive $0xFFFF  }
0x4e: {  	p0 =	sne.s32 s0, $0x0;
	_ =	strace $0x90000047  }
0x4f: {  	s0 =	sadd.s32 @!p0 $0x100000, s1;
	[bflag:$0x2] =	sbarrier.arrive $0xFFFF  }
0x50: {  	[sflag:s0] =	ssyncadd.tile.s32 @!p0 $0x1;
	_ =	shalt  }
.Lfunc_end2:
_tile_overlayer_lowered:
.L_overlay_start_2:
0x51: {  	(tag) =	ssettag $0x2  }
0x52: {  	s0 =	rddreg [dreg:$0x0];
	s2 =	stileid.u32  }
0x53: {  	s1 =	rddreg [dreg:$0x1];
	p0 =	sne.s32 s2, $0x0  }
0x54: {  	s3 =	rddreg [dreg:$0x2];
	[bflag:$0x3] =	sbarrier.arrive $0xFFFF;
	s2 =	simm.s32 @!p0 $0x1C01  }
0x55: {  	[timem:s3], [sflag:s2] =	dma.local @!p0 [hbm:s0], s1  }
0x56: {  	s0 =	simm.s32 @!p0 $0x1  }
0x57: {  	_ =	swait.ge @!p0 [sflag:s0], s1  }
0x58: {  	s1 =	ssub.s32 @!p0 $0x0, s1;
	[sflag:s0] =	ssyncset.done @!p0 $0x0  }
0x59: {  	[sflag:s0] =	ssyncadd.s32 @!p0 s1  }
0x5a: {  	[bflag:$0x3] =	sbarrier.arrive $0xFFFF  }
0x5b: {  	_ =	shalt  }

// kernel: kernel.8.cloned.1.call-start
scs
__scs_entry_jumppad:
0x0: {  	(pc) =	sbr.rel $0x88, $3  }
0x1: {  	(tag) =	ssettag $0x0;
	lr =	simm.s32 $0x1  }
0x2: {  	[smem:$0x3F9B] =	sst lr;
	_ =	strace $0xD0000000  }
0x3: {  	_ = 	snop  }
0x4: {  	_ = 	snop  }
0x5: {  	_ = 	snop  }
0x6: {  	_ = 	snop  }
0x7: {  	_ = 	snop  }
__scs_overlays_trampoline_lowered:
0x8: {  	[smem:$0x3FAA] =	sst s0  }
0x9: {  	[smem:$0x3FAB] =	sst s1  }
0xa: {  	[smem:$0x3FAC] =	sst s2  }
0xb: {  	[smem:$0x3FAD] =	sst s3  }
0xc: {  	[smem:$0x3FAE] =	sst s4  }
0xd: {  	[smem:$0x3FAF] =	sst s5  }
0xe: {  	[smem:$0x3FB0] =	sst s6  }
0xf: {  	[smem:$0x3FB1] =	sst s7  }
0x10: {  	[smem:$0x3FB2] =	sst s8  }
0x11: {  	[smem:$0x3FB3] =	sst s9;
	s0 =	simm.s32 @!p0 $0x0  }
0x12: {  	s1 =	sld [smem:$0x3F99];
	s0 =	simm.s32 @p0 $0x1  }
0x13: {  	[smem:$0x3FB4] =	sst s0;
	s0 =	simm.s32 @!p1 $0x0  }
0x14: {  	s2 =	sld [smem:$0x3F98];
	s0 =	simm.s32 @p1 $0x1  }
0x15: {  	[smem:$0x3FB5] =	sst s0;
	s0 =	simm.s32 @!p2 $0x0  }
0x16: {  	s3 =	sld [smem:$0x3FDB];
	s0 =	simm.s32 @p2 $0x1  }
0x17: {  	s4 =	simm.s32 $0x1BF5;
	[smem:$0x3FB7] =	sst s0  }
0x18: {  	s0 =	sld [smem:$0x3F9A];
	_ =	swait.ge [sflag:s4], $0x0  }
0x19: {  	s7 =	sld [smem:$0x3F9B]  }
0x1a: {  	s8 =	sadd.s32 $0xFFFFE003, lr  }
0x1b: {  	s9 =	sadd.s32 $0xFFFFFEF7, lr;
	s5 =	simm.s32 $0xFFFFFFFF;
	p2 =	slt.u32 s8, $0xFFFFF086  }
0x1c: {  	p1 =	slt.u32 s9, $0xF7A;
	s5 =	simm.s32 @!p2 $0x0  }
0x1d: {  	s5 =	simm.s32 @p1 $0x1;
	p0 =	seq.s32 s7, s2  }
0x1e: {  	s7 =	smul.u32 @!p0 $0xF7A, s2;
	p2 =	seq.s32 @!p0 s5, $0x0  }
0x1f: {  	s9 =	smul.u32 $0xF7A, s1;
	s8 =	simm.s32 @!p0 $0x1BF5;
	p2 =	por !p2, p0  }
0x20: {  	[sflag:s8] =	ssyncset.s32 @!p0 $0xFFFFF086;
	s6 =	sadd.s32 @!p0 s3, s7;
	s7 =	simm.s32 @!p0 $0x108  }
0x21: {  	s3 =	sadd.s32 s3, s9;
	s6 =	sadd.s32 @!p0 $0x88, s6;
	s7 =	simm.s32 @p2 $0x1082  }
0x22: {  	[simem:s7], [sflag:s8] =	dma.local @!p0 [hbm:s6], $0xF7A  }
0x23: {  	s9 =	sor.u32 $0xD0000000, s2;
	s6 =	simm.s32 $0x108;
	_ =	swait.ge @!p0 [sflag:s8], $0x0  }
0x24: {  	s3 =	sadd.s32 $0x88, s3;
	s6 =	simm.s32 @!p1 $0x1082;
	[sflag:s4] =	ssyncset.s32 $0xFFFFF086  }
0x25: {  	[simem:s6], [sflag:s4] =	dma.local [hbm:s3], $0xF7A  }
0x26: {  	[smem:$0x3F9B] =	sst s1;
	(tag) =	ssettag s2;
	_ =	strace s9  }
0x27: {  	s1 =	sld [smem:$0x3FAB]  }
0x28: {  	s2 =	sld [smem:$0x3FAC]  }
0x29: {  	s4 =	sld [smem:$0x3FAE]  }
0x2a: {  	p0 =	seq.s32 s5, $0x0;
	s5 =	sld [smem:$0x3FAF]  }
0x2b: {  	s6 =	sld [smem:$0x3FB0]  }
0x2c: {  	s7 =	sld [smem:$0x3FB1]  }
0x2d: {  	s3 =	simm.s32 $0x108;
	s8 =	sld [smem:$0x3FB2]  }
0x2e: {  	s3 =	simm.s32 @!p0 $0x1082;
	s9 =	sld [smem:$0x3FB3]  }
0x2f: {  	lr =	sadd.s32 s0, s3;
	s0 =	sld [smem:$0x3FAA]  }
0x30: {  	s3 =	sld [smem:$0x3FAD]  }
0x31: {  	[smem:$0x3FB6] =	sst s10  }
0x32: {  	s10 =	sld [smem:$0x3FB4];
	_ =	sdelay $0x3  }
0x33: {  	p0 =	seq.s32 s10, $0x1;
	s10 =	sld [smem:$0x3FB6];
	_ =	sdelay $0x3  }
0x34: {  	[smem:$0x3FB6] =	sst s10  }
0x35: {  	s10 =	sld [smem:$0x3FB5];
	_ =	sdelay $0x3  }
0x36: {  	p1 =	seq.s32 s10, $0x1;
	s10 =	sld [smem:$0x3FB6];
	_ =	sdelay $0x3  }
0x37: {  	[smem:$0x3FB6] =	sst s10  }
0x38: {  	s10 =	sld [smem:$0x3FB7]  }
0x39: {  	_ = 	snop;
	(pc) =	sbr.ind lr, $3  }
0x3a: {  	_ = 	snop  }
0x3b: {  	_ = 	snop  }
0x3c: {  	p2 =	seq.s32 s10, $0x1;
	s10 =	sld [smem:$0x3FB6]  }
0x3d: {  	_ =	shalt  }
0x3e: {  	_ =	shalt  }
0x3f: {  	_ =	shalt  }
0x40: {  	_ =	shalt  }
0x41: {  	_ =	shalt  }
0x42: {  	_ =	shalt  }
0x43: {  	_ =	shalt  }
0x44: {  	_ =	shalt  }
0x45: {  	_ =	shalt  }
0x46: {  	_ =	shalt  }
0x47: {  	_ =	shalt  }
0x48: {  	_ =	shalt  }
0x49: {  	_ =	shalt  }
0x4a: {  	_ =	shalt  }
0x4b: {  	_ =	shalt  }
0x4c: {  	_ =	shalt  }
0x4d: {  	_ =	shalt  }
0x4e: {  	_ =	shalt  }
0x4f: {  	_ =	shalt  }
0x50: {  	_ =	shalt  }
0x51: {  	_ =	shalt  }
0x52: {  	_ =	shalt  }
0x53: {  	_ =	shalt  }
0x54: {  	_ =	shalt  }
0x55: {  	_ =	shalt  }
0x56: {  	_ =	shalt  }
0x57: {  	_ =	shalt  }
0x58: {  	_ =	shalt  }
0x59: {  	_ =	shalt  }
0x5a: {  	_ =	shalt  }
0x5b: {  	_ =	shalt  }
0x5c: {  	_ =	shalt  }
0x5d: {  	_ =	shalt  }
0x5e: {  	_ =	shalt  }
0x5f: {  	_ =	shalt  }
0x60: {  	_ =	shalt  }
0x61: {  	_ =	shalt  }
0x62: {  	_ =	shalt  }
0x63: {  	_ =	shalt  }
0x64: {  	_ =	shalt  }
0x65: {  	_ =	shalt  }
0x66: {  	_ =	shalt  }
0x67: {  	_ =	shalt  }
0x68: {  	_ =	shalt  }
0x69: {  	_ =	shalt  }
0x6a: {  	_ =	shalt  }
0x6b: {  	_ =	shalt  }
0x6c: {  	_ =	shalt  }
0x6d: {  	_ =	shalt  }
0x6e: {  	_ =	shalt  }
0x6f: {  	_ =	shalt  }
0x70: {  	_ =	shalt  }
0x71: {  	_ =	shalt  }
0x72: {  	_ =	shalt  }
0x73: {  	_ =	shalt  }
0x74: {  	_ =	shalt  }
0x75: {  	_ =	shalt  }
0x76: {  	_ =	shalt  }
0x77: {  	_ =	shalt  }
0x78: {  	_ =	shalt  }
0x79: {  	_ =	shalt  }
0x7a: {  	_ =	shalt  }
0x7b: {  	_ =	shalt  }
0x7c: {  	_ =	shalt  }
0x7d: {  	_ =	shalt  }
0x7e: {  	_ =	shalt  }
0x7f: {  	_ =	shalt  }
0x80: {  	_ =	shalt  }
0x81: {  	_ =	shalt  }
0x82: {  	_ =	shalt  }
0x83: {  	_ =	shalt  }
0x84: {  	_ =	shalt  }
0x85: {  	_ =	shalt  }
0x86: {  	_ =	shalt  }
0x87: {  	_ =	shalt  }
.Lfunc_end0:
.L_simem_size_0:
called_computation.1_lowered:
.L_overlay_start_0:
0x88: {  	s2 =	sld [smem:$0x3FD9]  }
0x89: {  	s3 =	sld [smem:$0x3FFE];
	_ =	sdelay $0x1  }
0x8a: {  	s1 =	srdreg.scid  }
0x8b: {  	s0 =	sand.u32 $0x1, s1  }
0x8c: {  	s17 =	sshll.u32 s0, $0xA;
	s2 =	sadd.s32 s3, s2  }
0x8d: {  	s2 =	sadd.s32 s2, s17  }
0x8e: {  	[smem:$0x3FC2] =	sst s2  }
0x8f: {  	_ = 	snop  }
0x90: {  	s2 =	sld [smem:$0x3FD0];
	(tm) =	ssettm $0x1  }
0x91: {  	s18 =	sld [smem:$0x3FFB];
	_ =	sdelay $0x3  }
0x92: {  	_ =	strace s18  }
0x93: {  	s3 =	sld [smem:$0x3FFC];
	_ =	sdelay $0x3  }
0x94: {  	_ =	strace s3  }
0x95: {  	s3 =	sld [smem:$0x3FFD];
	_ =	sdelay $0x3  }
0x96: {  	_ =	strace s3  }
0x97: {  	_ =	strace $0x8FFFFFFF  }
0x98: {  	s19 =	sld [smem:$0x3FDB];
	_ =	sdelay $0x1  }
0x99: {  	s4 =	simm.s32 $_scs_section_size  }
0x9a: {  	s5 =	simm.s32 $_size__tile_overlayer_lowered;
	s6 =	simm.s32 $_tile_overlayer_lowered  }
0x9b: {  	s22 =	simm.s32 $0x1BFF;
	s21 =	sshll.u32 s6, $0x1;
	s3 =	sadd.s32 s4, s19  }
0x9c: {  	s7 =	simm.s32 $0x0;
	s20 =	sshll.u32 s5, $0x1;
	s5 =	sadd.s32 s21, s3  }
0x9d: {  	[timem:s7], [sflag:s22] =	dma.local [hbm:s5], s20  }
0x9e: {  	_ =	swait.ge [sflag:s22], s20  }
0x9f: {  	s4 =	ssub.s32 $0x0, s20;
	[sflag:s22] =	ssyncset.done $0x0  }
0xa0: {  	[sflag:s22] =	ssyncadd.s32 s4;
	_ =	sdelay $0x1  }
0xa1: {  	s23 =	simm.s32 $0x1B8B  }
0xa2: {  	_ =	swait.ge [sflag:s23], $0x1  }
0xa3: {  	[sflag:s23] =	ssyncset.done $0x0  }
0xa4: {  	s25 =	simm.s32 $0x1B8E;
	s24 =	sld [smem:$0x3FFE];
	[sflag:s23] =	ssyncadd.s32 $0xFFFFFFFF  }
0xa5: {  	s26 =	simm.s32 $execute0_lowered;
	[smem:$0x3FD2] =	sst s25  }
0xa6: {  	s5 =	sshll.u32 s26, $0x1;
	_ =	strace $0x80000049;
	[dreg:$0x1] =	wrdreg $0xFFFFFFFF  }
0xa7: {  	s28 =	simm.s32 $_size_execute0_lowered;
	s3 =	sadd.s32 s3, s5;
	[dreg:$0x0] =	wrdreg $0x0  }
0xa8: {  	s5 =	sshll.u32 s28, $0x1;
	[dreg:$0x2] =	wrdreg s3  }
0xa9: {  	[dreg:$0x3] =	wrdreg s5  }
0xaa: {  	[dreg:$0x4] =	wrdreg $0xC0  }
0xab: {  	_ =	task [dreg:s7], $0x5FFFF  }
0xac: {  	[dreg:$0x1] =	wrdreg $0xFFFFFFFF  }
0xad: {  	[dreg:$0x0] =	wrdreg $0x60  }
0xae: {  	[dreg:$0x2] =	wrdreg s24  }
0xaf: {  	[dreg:$0x3] =	wrdreg s2  }
0xb0: {  	[dreg:$0x4] =	wrdreg $0x0  }
0xb1: {  	[dreg:$0x5] =	wrdreg $0x9  }
0xb2: {  	_ =	task.clear_ibuf [dreg:s7], $0x6FFFF;
	_ =	strace $0x90000049  }
0xb3: {  	s29 =	simm.s32 $0x9;
	_ =	strace $0x8000004B  }
0xb4: {  	_ =	swait.ge [sflag:s29], $0x1  }
0xb5: {  	[sflag:s29] =	ssyncadd.s32 $0xFFFFFFFF  }
0xb6: {  	_ =	strace $0x9000004B  }
0xb7: {  	_ =	sfence  }
0xb8: {  	s30 =	sld [smem:$0x0];
	_ =	sdelay $0x2  }
0xb9: {  	s31 =	sshll.u32 s1, $0xD;
	s1 =	sshrl.u32 s1, $0x2  }
0xba: {  	s3 =	sand.u32 $0x4000, s31;
	s1 =	sadd.s32 s1, s30  }
0xbb: {  	s0 =	sor.u32 s3, s0;
	s1 =	sshll.u32 s1, $0x11  }
0xbc: {  	s0 =	sor.u32 s1, s0  }
0xbd: {  	s0 =	sadd.s32 $0x8F2B, s0  }
0xbe: {  	[sflag:s0] =	ssyncadd.remote.s32 $0x1  }
0xbf: {  	_ =	sfence.sel $0xFFFF  }
0xc0: {  	[dreg:$0x0] =	wrdreg $0xFFFFFFFF;
	(pc) =	sbr.abs _section_cstart, $3  }
0xc1: {  	[dreg:$0x1] =	wrdreg $0xFFFFFFFF  }
0xc2: {  	_ =	task.clear_ibuf [dreg:s7], $0x2FFFF;
	_ =	strace $0x9FFFFFFF  }
0xc3: {  	(tm) =	ssettm $0x7FFFFFFF  }
tec
execute0_lowered:
.L_overlay_start_1:
0x0: {  	(tag) =	ssettag $0x1  }
0x1: {  	s0 =	rddreg [dreg:$0x0]  }
0x2: {  	s3 =	rddreg [dreg:$0x1]  }
0x3: {  	s1 =	rddreg [dreg:$0x2];
	s2 =	simm.s32 $0x0  }
0x4: {  	s5 =	srdreg.scid;
	s13 =	stileid.u32;
	s28 =	simm.s32 $0x800  }
0x5: {  	s29 =	simm.s32 $0x13C00;
	s30 =	simm.s32 $0x1DC80;
	s31 =	simm.s32 $0x16400  }
0x6: {  	[smem:$0x7FF] =	sst s2;
	s4 =	sadd.s32 $0x283A00, s0;
	s8 =	smul.u32 $0x271000, s13  }
0x7: {  	s5 =	sand.u32 $0x1, s5;
	s6 =	sadd.s32 $0x600, s0;
	s10 =	smul.u32 $0x2710, s13  }
0x8: {  	s0 =	sadd.s32 $0x5600, s0;
	s14 =	smul.u32 $0x27800, s13;
	p0 =	seq.s32 s13, $0xF  }
0x9: {  	_ =	strace $0x8000004A;
	s7 =	ssub.s32 $0x2, s5;
	s11 =	sshll.u32 s5, $0xA  }
0xa: {  	[dreg:$0x4] =	wrdreg s0;
	s5 =	sshll.u32 s5, $0x7;
	s9 =	sshrl.u32 s7, $0x1  }
0xb: {  	s17 =	sshrl.u32 s10, $0x3;
	s12 =	sadd.s32 $0x50, s10;
	s22 =	sadd.s32 $0xA0, s10  }
0xc: {  	s26 =	sadd.s32 $0xF0, s10;
	s0 =	ssub.s32 s7, s9;
	s7 =	sor.u32 s11, s8  }
0xd: {  	s8 =	sadd.s32 s6, s17;
	s20 =	sshll.u32 s12, $0x8;
	s21 =	sshrl.u32 s12, $0x3  }
0xe: {  	s23 =	sshll.u32 s22, $0x8;
	s24 =	sshrl.u32 s22, $0x3;
	s10 =	sshll.u32 s26, $0x8  }
0xf: {  	s12 =	smul.u32 $0x4F000, s13;
	s17 =	sor.u32 s11, s14;
	s18 =	sshrl.u32 s7, $0x3  }
0x10: {  	[dreg:$0x5] =	wrdreg s8;
	s8 =	sor.u32 s11, s20;
	s9 =	sadd.s32 s6, s21  }
0x11: {  	s0 =	smax.u32 s0, $0x1;
	s21 =	smul.u32 $0x4E2, s13;
	s22 =	sadd.s32 $0x1E000, s7  }
0x12: {  	s19 =	sadd.s32 s4, s18;
	[dreg:$0x7] =	wrdreg s9;
	s8 =	sshrl.u32 s8, $0x3  }
0x13: {  	s9 =	sor.u32 s11, s23;
	s16 =	sshrl.u32 s12, $0x2;
	[dreg:$0x11] =	wrdreg s0  }
0x14: {  	s18 =	sshll.u32 s13, $0x6;
	s23 =	sadd.s32 $0x19000, s7;
	[dreg:$0x6] =	wrdreg s19  }
0x15: {  	s8 =	sadd.s32 s4, s8;
	s25 =	sshrl.u32 s9, $0x3;
	s9 =	sshrl.u32 s26, $0x3  }
0x16: {  	s15 =	sadd.s32 s16, s1;
	s26 =	sadd.s32 $0x14000, s7;
	[dreg:$0x8] =	wrdreg s8  }
0x17: {  	s19 =	sadd.s32 $0x23000, s7;
	s7 =	simm.s32 $0x50;
	[dreg:$0x15] =	wrdreg s26  }
0x18: {  	s8 =	sadd.s32 s6, s24;
	s9 =	sadd.s32 s6, s9;
	[dreg:$0xd] =	wrdreg s15  }
0x19: {  	s20 =	sshrl.u32 s19, $0x3;
	s24 =	sshrl.u32 s23, $0x3;
	[dreg:$0x9] =	wrdreg s8  }
0x1a: {  	s26 =	simm.s32 $0x400;
	s8 =	sadd.s32 s4, s25;
	[dreg:$0xb] =	wrdreg s9  }
0x1b: {  	s0 =	sadd.s32 s20, s4;
	s20 =	sadd.s32 s21, s6;
	s25 =	sadd.s32 s24, s4  }
0x1c: {  	s24 =	simm.s32 $0x1DC00;
	s6 =	simm.s32 $0x1;
	[dreg:$0xa] =	wrdreg s8  }
0x1d: {  	s8 =	sor.u32 s11, s10;
	[dreg:$0x12] =	wrdreg s0;
	s0 =	sshrl.u32 s22, $0x3  }
0x1e: {  	[dreg:$0x14] =	wrdreg s25;
	s8 =	sshrl.u32 s8, $0x3;
	s0 =	sadd.s32 s0, s4  }
0x1f: {  	s9 =	simm.s32 $0x4;
	s8 =	sadd.s32 s4, s8;
	[dreg:$0x13] =	wrdreg s0  }
0x20: {  	s10 =	simm.s32 $0x0;
	[dreg:$0xc] =	wrdreg s8;
	s8 =	sshrl.u32 s17, $0x3  }
.Ltmp0:
0x21: {  	s17 =	sor.u32 $0x1C05, s18;
	s8 =	sadd.s32 s3, s8;
	(pc) =	sbr.rel .LBB2_1-.Ltmp0, $4  }
0x22: {  	s3 =	sadd.s32 s5, s3;
	s5 =	sadd.s32 $0x128400, s1;
	[dreg:$0xe] =	wrdreg s17  }
0x23: {  	[dreg:$0xf] =	wrdreg s8;
	s3 =	sadd.s32 $0x4A100, s3;
	s0 =	sshrl.u32 @p0 s5, $0x3  }
0x24: {  	s5 =	simm.s32 $0x5;
	s8 =	simm.s32 $0x2;
	[dreg:$0x10] =	wrdreg s3  }
0x25: {  	[dreg:$0x16] =	wrdreg s0;
	s0 =	simm.s32 $0x1DD80;
	s3 =	simm.s32 $0x1B400  }
.LBB2_4:
0x26: {  	_ =	swait.ge [sflag:s6], $0x50  }
0x27: {  	[sflag:s6] =	ssyncset.done $0x0  }
0x28: {  	[sflag:s6] =	ssyncadd.s32 $0xFFFFFFB0  }
0x29: {  	_ =	swait.ge [sflag:s6], $0x2800  }
0x2a: {  	[sflag:s6] =	ssyncset.done $0x0  }
0x2b: {  	[sflag:s6] =	ssyncadd.s32 $0xFFFFD800  }
0x2c: {  	[spmem:s1] =	stream.indirect.scatter.add.f32 [tilespmem:s29], [sflag:$0x5], $0x80, s24, s7, $0xb8;
	[tilespmem:$0x1DE00] =	vst v63  }
0x2d: {  	_ =	swait.ge [sflag:s5], $0x2800  }
0x2e: {  	[sflag:s5] =	ssyncset.done $0x0  }
0x2f: {  	[sflag:s5] =	ssyncadd.s32 $0xFFFFD800  }
0x30: {  	[bflag:$0x0] =	sbarrier.arrive $0xFFFF  }
0x31: {  	s17 =	rddreg [dreg:$0xe]  }
0x32: {  	s11 =	simm.s32 @p0 $0x8;
	s14 =	rddreg [dreg:$0x10]  }
0x33: {  	s12 =	simm.s32 @p0 $0x100;
	s13 =	simm.s32 @p0 $0x80;
	s15 =	rddreg [dreg:$0x16]  }
0x34: {  	[hbm:s14@s12], [sflag:s17] =	dma.strided @p0 [spmem:s15@s13], $0x2080, s11, $0x10   }
0x35: {  	s11 =	simm.s32 @p0 $0x5  }
0x36: {  	s12 =	simm.s32 @!p0 $0x8;
	s13 =	simm.s32 @!p0 $0x100;
	_ =	swait.ge @p0 [sflag:s11], $0x2080  }
0x37: {  	s14 =	simm.s32 @!p0 $0x80;
	[sflag:s11] =	ssyncset.done @p0 $0x0;
	s15 =	rddreg [dreg:$0xd]  }
0x38: {  	s16 =	rddreg [dreg:$0xf];
	[sflag:s11] =	ssyncadd.s32 @p0 $0xFFFFDF80;
	s11 =	sshrl.u32 @!p0 s15, $0x3  }
0x39: {  	[hbm:s16@s13], [sflag:s17] =	dma.strided @!p0 [spmem:s11@s14], $0x2780, s12, $0x10   }
0x3a: {  	s11 =	simm.s32 @!p0 $0x5  }
0x3b: {  	_ =	swait.ge @!p0 [sflag:s11], $0x2780  }
0x3c: {  	s10 =	sadd.s32 $0x1, s10;
	s25 =	rddreg [dreg:$0x11]  }
0x3d: {  	p1 =	sne.s32 s10, s25  }
.Ltmp1:
0x3e: {  	_ = 	snop;
	(pc) =	sbr.rel @!p1 .LBB2_5-.Ltmp1, $3  }
0x3f: {  	_ =	sdelay $0x1  }
0x40: {  	[sflag:s11] =	ssyncset.done @!p0 $0x0  }
0x41: {  	[sflag:s11] =	ssyncadd.s32 @!p0 $0xFFFFD880  }
.LBB2_1:
0x42: {  	s11 =	rddreg [dreg:$0x5]  }
0x43: {  	s13 =	rddreg [dreg:$0x6]  }
0x44: {  	[tilespmem:s24], [sflag:$0x1] =	stream.linear.gather [hbm4b:s11+s2], $0x50, $0x38;
	[tilespmem:$0x1DE00] =	vst v63  }
0x45: {  	s14 =	rddreg [dreg:$0x7]  }
0x46: {  	[tilespmem:s29], [sflag:$0x1] =	stream.strided.gather [hbm4b:s13+s26], $0x2800, s28, s26, $0x38;
	[tilespmem:$0x1DE00] =	vst v63  }
0x47: {  	s16 =	rddreg [dreg:$0x8]  }
0x48: {  	[tilespmem:s30], [sflag:$0x2] =	stream.linear.gather [hbm4b:s14+s2], $0x50, $0x38;
	[tilespmem:$0x1DE00] =	vst v63  }
0x49: {  	s18 =	rddreg [dreg:$0x9]  }
0x4a: {  	[tilespmem:s31], [sflag:$0x2] =	stream.strided.gather [hbm4b:s16+s26], $0x2800, s28, s26, $0x38;
	[tilespmem:$0x1DE00] =	vst v63  }
0x4b: {  	s12 =	simm.s32 $0x1DD00;
	s19 =	rddreg [dreg:$0xa]  }
0x4c: {  	[tilespmem:s12], [sflag:$0x3] =	stream.linear.gather [hbm4b:s18+s2], $0x50, $0x38;
	[tilespmem:$0x1DE00] =	vst v63  }
0x4d: {  	s21 =	simm.s32 $0x18C00;
	s22 =	rddreg [dreg:$0xb]  }
0x4e: {  	[tilespmem:s21], [sflag:$0x3] =	stream.strided.gather [hbm4b:s19+s26], $0x2800, s28, s26, $0x38;
	[tilespmem:$0x1DE00] =	vst v63  }
0x4f: {  	s23 =	rddreg [dreg:$0xc]  }
0x50: {  	[tilespmem:s0], [sflag:$0x4] =	stream.linear.gather [hbm4b:s22+s2], $0x50, $0x38;
	[tilespmem:$0x1DE00] =	vst v63  }
0x51: {  	s25 =	rddreg [dreg:$0x4];
	s16 =	sshrl.u32 s15, $0x3  }
0x52: {  	[tilespmem:s3], [sflag:$0x4] =	stream.strided.gather [hbm4b:s23+s26], $0x2800, s28, s26, $0x38;
	[tilespmem:$0x1DE00] =	vst v63  }
0x53: {  	[spmem:s16], [sflag:s17] =	dma.local [hbm:s25], $0x2780  }
0x54: {  	_ =	swait.ge [sflag:s5], $0x2780  }
0x55: {  	[sflag:s5] =	ssyncset.done $0x0  }
0x56: {  	[sflag:s5] =	ssyncadd.s32 $0xFFFFD880  }
0x57: {  	[bflag:$0x0] =	sbarrier.arrive $0xFFFF  }
0x58: {  	s23 =	rddreg [dreg:$0x15]  }
0x59: {  	s22 =	rddreg [dreg:$0x14]  }
0x5a: {  	s21 =	rddreg [dreg:$0x13]  }
0x5b: {  	s16 =	simm.s32 $0x0;
	s19 =	rddreg [dreg:$0x12]  }
.LBB2_2:
0x5c: {  	_ =	swait.ge [sflag:s6], $0x50  }
0x5d: {  	[sflag:s6] =	ssyncset.done $0x0  }
0x5e: {  	[sflag:s6] =	ssyncadd.s32 $0xFFFFFFB0  }
0x5f: {  	_ =	swait.ge [sflag:s6], $0x2800  }
0x60: {  	[sflag:s6] =	ssyncset.done $0x0  }
0x61: {  	[sflag:s6] =	ssyncadd.s32 $0xFFFFD800  }
0x62: {  	[spmem:s1] =	stream.indirect.scatter.add.f32 [tilespmem:s29], [sflag:$0x5], $0x80, s24, s7, $0xb8;
	[tilespmem:$0x1DE00] =	vst v63  }
0x63: {  	_ =	swait.ge [sflag:s5], $0x2800  }
0x64: {  	s18 =	sadd.s32 s16, s20;
	[sflag:s5] =	ssyncset.done $0x0  }
0x65: {  	s25 =	sshrl.u32 s23, $0x3;
	s17 =	sadd.s32 $0x28, s18;
	[sflag:s5] =	ssyncadd.s32 $0xFFFFD800  }
0x66: {  	[tilespmem:s24], [sflag:$0x1] =	stream.linear.gather [hbm4b:s17+s2], $0x50, $0x38;
	[tilespmem:$0x1DE00] =	vst v63  }
0x67: {  	s17 =	sadd.s32 s4, s25  }
0x68: {  	[tilespmem:s29], [sflag:$0x1] =	stream.strided.gather [hbm4b:s17+s26], $0x2800, s28, s26, $0x38;
	[tilespmem:$0x1DE00] =	vst v63  }
0x69: {  	_ =	swait.ge [sflag:s8], $0x50  }
0x6a: {  	[sflag:s8] =	ssyncset.done $0x0  }
0x6b: {  	[sflag:s8] =	ssyncadd.s32 $0xFFFFFFB0  }
0x6c: {  	_ =	swait.ge [sflag:s8], $0x2800  }
0x6d: {  	[sflag:s8] =	ssyncset.done $0x0  }
0x6e: {  	[sflag:s8] =	ssyncadd.s32 $0xFFFFD800  }
0x6f: {  	[spmem:s1] =	stream.indirect.scatter.add.f32 [tilespmem:s31], [sflag:$0x5], $0x80, s30, s7, $0xb8;
	[tilespmem:$0x1DE00] =	vst v63  }
0x70: {  	_ =	swait.ge [sflag:s5], $0x2800  }
0x71: {  	p1 =	seq.s32 s16, $0x4B0;
	[sflag:s5] =	ssyncset.done $0x0  }
0x72: {  	s17 =	simm.s32 @p1 $0x3;
	[sflag:s5] =	ssyncadd.s32 $0xFFFFD800  }
0x73: {  	_ =	swait.ge @p1 [sflag:s17], $0x50  }
0x74: {  	[sflag:s17] =	ssyncset.done @p1 $0x0  }
0x75: {  	[sflag:s17] =	ssyncadd.s32 @p1 $0xFFFFFFB0  }
0x76: {  	_ =	swait.ge @p1 [sflag:s17], $0x2800  }
0x77: {  	s13 =	simm.s32 @p1 $0x1DD00;
	[sflag:s17] =	ssyncset.done @p1 $0x0  }
0x78: {  	s12 =	simm.s32 @p1 $0x18C00;
	[sflag:s17] =	ssyncadd.s32 @p1 $0xFFFFD800;
	s17 =	simm.s32 @p1 $0x50  }
0x79: {  	[spmem:s1] =	stream.indirect.scatter.add.f32 @p1 [tilespmem:s12], [sflag:$0x5], $0x80, s13, s17, $0xb8;
	[tilespmem:$0x1DE00] =	vst v63  }
0x7a: {  	s12 =	simm.s32 @p1 $0x5  }
0x7b: {  	_ =	swait.ge @p1 [sflag:s12], $0x2800  }
0x7c: {  	[sflag:s12] =	ssyncset.done @p1 $0x0  }
0x7d: {  	[sflag:s12] =	ssyncadd.s32 @p1 $0xFFFFD800;
	s12 =	sadd.s32 @!p1 s16, s20  }
0x7e: {  	s11 =	simm.s32 @!p1 $0x1DC80;
	s17 =	simm.s32 @!p1 $0x0;
	s13 =	sadd.s32 @!p1 $0x32, s12  }
0x7f: {  	[tilespmem:s11], [sflag:$0x2] =	stream.linear.gather @!p1 [hbm4b:s13+s17], $0x50, $0x38;
	[tilespmem:$0x1DE00] =	vst v63  }
0x80: {  	s25 =	simm.s32 @!p1 $0x16400;
	s11 =	simm.s32 @!p1 $0x400;
	s13 =	simm.s32 @!p1 $0x800  }
0x81: {  	[tilespmem:s25], [sflag:$0x2] =	stream.strided.gather @!p1 [hbm4b:s22+s11], $0x2800, s13, s11, $0x38;
	[tilespmem:$0x1DE00] =	vst v63  }
0x82: {  	s25 =	simm.s32 @!p1 $0x3  }
0x83: {  	_ =	swait.ge @!p1 [sflag:s25], $0x50  }
0x84: {  	[sflag:s25] =	ssyncset.done @!p1 $0x0  }
0x85: {  	[sflag:s25] =	ssyncadd.s32 @!p1 $0xFFFFFFB0  }
0x86: {  	_ =	swait.ge @!p1 [sflag:s25], $0x2800  }
0x87: {  	s14 =	simm.s32 @!p1 $0x1DD00;
	[sflag:s25] =	ssyncset.done @!p1 $0x0  }
0x88: {  	s15 =	simm.s32 @!p1 $0x18C00;
	[sflag:s25] =	ssyncadd.s32 @!p1 $0xFFFFD800;
	s25 =	simm.s32 @!p1 $0x50  }
0x89: {  	[spmem:s1] =	stream.indirect.scatter.add.f32 @!p1 [tilespmem:s15], [sflag:$0x5], $0x80, s14, s25, $0xb8;
	[tilespmem:$0x1DE00] =	vst v63  }
0x8a: {  	s25 =	simm.s32 @!p1 $0x5  }
0x8b: {  	_ =	swait.ge @!p1 [sflag:s25], $0x2800  }
0x8c: {  	[sflag:s25] =	ssyncset.done @!p1 $0x0  }
0x8d: {  	s12 =	sadd.s32 @!p1 $0x3C, s12;
	[sflag:s25] =	ssyncadd.s32 @!p1 $0xFFFFD800  }
0x8e: {  	[tilespmem:s14], [sflag:$0x3] =	stream.linear.gather @!p1 [hbm4b:s12+s17], $0x50, $0x38;
	[tilespmem:$0x1DE00] =	vst v63  }
0x8f: {  	_ = 	snop  }
0x90: {  	[tilespmem:s15], [sflag:$0x3] =	stream.strided.gather @!p1 [hbm4b:s21+s11], $0x2800, s13, s11, $0x38;
	[tilespmem:$0x1DE00] =	vst v63  }
0x91: {  	_ =	swait.ge [sflag:s9], $0x50  }
0x92: {  	[sflag:s9] =	ssyncset.done $0x0  }
0x93: {  	[sflag:s9] =	ssyncadd.s32 $0xFFFFFFB0  }
0x94: {  	_ =	swait.ge [sflag:s9], $0x2800  }
0x95: {  	[sflag:s9] =	ssyncset.done $0x0  }
.Ltmp2:
0x96: {  	[sflag:s9] =	ssyncadd.s32 $0xFFFFD800;
	(pc) =	sbr.rel @p1 .LBB2_4-.Ltmp2, $4  }
0x97: {  	[spmem:s1] =	stream.indirect.scatter.add.f32 [tilespmem:s3], [sflag:$0x5], $0x80, s0, s7, $0xb8;
	[tilespmem:$0x1DE00] =	vst v63  }
0x98: {  	_ =	swait.ge [sflag:s5], $0x2800  }
0x99: {  	[sflag:s5] =	ssyncset.done $0x0  }
0x9a: {  	[sflag:s5] =	ssyncadd.s32 $0xFFFFD800  }
.Ltmp3:
0x9b: {  	s11 =	sadd.s32 $0x46, s18;
	(pc) =	sbr.rel .LBB2_2-.Ltmp3, $4  }
0x9c: {  	[tilespmem:s0], [sflag:$0x4] =	stream.linear.gather [hbm4b:s11+s2], $0x50, $0x38;
	[tilespmem:$0x1DE00] =	vst v63  }
0x9d: {  	s16 =	sadd.s32 $0x28, s16;
	s21 =	sadd.s32 $0x2800, s21  }
0x9e: {  	[tilespmem:s3], [sflag:$0x4] =	stream.strided.gather [hbm4b:s19+s26], $0x2800, s28, s26, $0x38;
	[tilespmem:$0x1DE00] =	vst v63  }
0x9f: {  	s22 =	sadd.s32 $0x2800, s22;
	s23 =	sadd.s32 $0x14000, s23;
	s19 =	sadd.s32 $0x2800, s19  }
.LBB2_5:
0xa0: {  	_ =	sfence.sel $0x180000  }
0xa1: {  	[bflag:$0x0] =	sbarrier.arrive $0xFFFF  }
0xa2: {  	_ =	strace $0x9000004A  }
0xa3: {  	s0 =	stileid.u32;
	[bflag:$0x2] =	sbarrier.arrive $0xFFFF  }
0xa4: {  	p0 =	sne.s32 s0, $0x0;
	s0 =	rddreg [dreg:$0x3]  }
0xa5: {  	s0 =	sadd.s32 @!p0 $0x100000, s0  }
0xa6: {  	[sflag:s0] =	ssyncadd.tile.s32 @!p0 $0x1;
	_ =	shalt  }
.Lfunc_end2:
_tile_overlayer_lowered:
.L_overlay_start_2:
0xa7: {  	(tag) =	ssettag $0x2  }
0xa8: {  	s0 =	rddreg [dreg:$0x0];
	s2 =	stileid.u32  }
0xa9: {  	s1 =	rddreg [dreg:$0x1];
	p0 =	sne.s32 s2, $0x0  }
0xaa: {  	s3 =	rddreg [dreg:$0x2];
	[bflag:$0x3] =	sbarrier.arrive $0xFFFF;
	s2 =	simm.s32 @!p0 $0x1C05  }
0xab: {  	[timem:s3], [sflag:s2] =	dma.local @!p0 [hbm:s0], s1  }
0xac: {  	s0 =	simm.s32 @!p0 $0x5  }
0xad: {  	_ =	swait.ge @!p0 [sflag:s0], s1  }
0xae: {  	s1 =	ssub.s32 @!p0 $0x0, s1;
	[sflag:s0] =	ssyncset.done @!p0 $0x0  }
0xaf: {  	[sflag:s0] =	ssyncadd.s32 @!p0 s1  }
0xb0: {  	[bflag:$0x3] =	sbarrier.arrive $0xFFFF  }
0xb1: {  	_ =	shalt  }

</sc_bundles>
